<compile_context>
chip_gen: v7x
topology: tpu7x:2x2x1
jax: 0.10.2.dev20260603
libtpu: 0.0.44.dev20260713+nightly
codegen_flags: <defaults>
</compile_context>

<pallas_src>
import functools
import jax
import jax.numpy as jnp
from jax.experimental import pallas as pl



def _sqdist(src, dst):
    d = -2.0 * jnp.matmul(src, jnp.transpose(dst, (0, 2, 1)))
    d = d + jnp.sum(src ** 2, axis=-1)[:, :, None]
    d = d + jnp.sum(dst ** 2, axis=-1)[:, None, :]
    return d


def _index_points(points, idx):
    B = points.shape[0]
    batch_idx = jnp.arange(B).reshape((B,) + (1,) * (idx.ndim - 1))
    return points[batch_idx, idx]


def _vpu_cross(a, b):
    p0 = a[:, 0:1] * b[0:1, :]
    p1 = a[:, 1:2] * b[1:2, :]
    p2 = a[:, 2:3] * b[2:3, :]
    return (p0 + p1) + p2


def _vpu_rownorm(a):
    return (a[:, 0:1] ** 2 + a[:, 1:2] ** 2) + a[:, 2:3] ** 2


def _vpu_colnorm(b):
    return (b[0:1, :] ** 2 + b[1:2, :] ** 2) + b[2:3, :] ** 2


def _ball_body(q_ref, x_ref, idx_ref, *, radius, nsample, n):
    q = q_ref[0]
    x = x_ref[0]
    d = -2.0 * _vpu_cross(q, x)
    d = d + _vpu_rownorm(q)
    d = d + _vpu_colnorm(x)
    iota = jax.lax.broadcasted_iota(jnp.int32, (1, n), 1)
    mask = d <= radius ** 2
    cnt = jnp.sum(mask.astype(jnp.int32), axis=-1, keepdims=True)
    idx0 = jnp.min(jnp.where(mask, iota, n), axis=-1, keepdims=True)
    outs = []
    for k in range(nsample):
        ik = jnp.min(jnp.where(mask, iota, n), axis=-1, keepdims=True)
        outs.append(jnp.where(cnt > k, ik, idx0))
        mask = jnp.logical_and(mask, iota != ik)
    idx_ref[0] = jnp.concatenate(outs, axis=-1).astype(jnp.int32)


def _query_ball_pallas(radius, nsample, xyz_p, new_xyz_tp):
    B, _, N = xyz_p.shape
    S = new_xyz_tp.shape[1]
    return pl.pallas_call(
        functools.partial(_ball_body, radius=radius, nsample=nsample, n=N),
        grid=(B,),
        in_specs=[
            pl.BlockSpec((1, S, 8), lambda b: (b, 0, 0)),
            pl.BlockSpec((1, 8, N), lambda b: (b, 0, 0)),
        ],
        out_specs=pl.BlockSpec((1, S, nsample), lambda b: (b, 0, 0)),
        out_shape=jax.ShapeDtypeStruct((B, S, nsample), jnp.int32),
    )(new_xyz_tp, xyz_p)


def _bn(x, gamma, beta, axes):
    mean = jnp.mean(x, axis=axes, keepdims=True)
    var = jnp.var(x, axis=axes, keepdims=True)
    xh = (x - mean) / jnp.sqrt(var + 1e-5)
    shape = [1] * x.ndim
    shape[1] = x.shape[1]
    return xh * gamma.reshape(shape) + beta.reshape(shape)



def _fps_body(x_ref, o_ref, *, npoint, n):
    x = x_ref[0]
    iota_np = jax.lax.broadcasted_iota(jnp.int32, (8, npoint), 1)
    iota_n = jax.lax.broadcasted_iota(jnp.int32, (1, n), 1)

    def body(i, carry):
        dist, far, nx = carry
        c = jnp.sum(jnp.where(iota_n == far, x, 0.0), axis=1,
                    keepdims=True)
        nx = jnp.where(iota_np == i, c, nx)
        d = jnp.sum((x - c) ** 2, axis=0, keepdims=True)
        dist = jnp.minimum(dist, d)
        mx = jnp.max(dist)
        far = jnp.min(jnp.where(dist == mx, iota_n, n)).astype(jnp.int32)
        return dist, far, nx

    dist0 = jnp.full((1, n), 1e10, dtype=jnp.float32)
    nx0 = jnp.zeros((8, npoint), dtype=jnp.float32)
    _, _, nx = jax.lax.fori_loop(0, npoint, body,
                                 (dist0, jnp.int32(0), nx0))
    o_ref[0] = nx


def _fps_new_xyz(xyz_p, npoint):
    B, _, N = xyz_p.shape
    return pl.pallas_call(
        functools.partial(_fps_body, npoint=npoint, n=N),
        grid=(B,),
        in_specs=[pl.BlockSpec((1, 8, N), lambda b: (b, 0, 0))],
        out_specs=pl.BlockSpec((1, 8, npoint), lambda b: (b, 0, 0)),
        out_shape=jax.ShapeDtypeStruct((B, 8, npoint), jnp.float32),
    )(xyz_p)



def _interp_body(x1_ref, x2_ref, p2_ref, o_ref, *, s):
    x1 = x1_ref[0]
    x2 = x2_ref[0]
    p2 = p2_ref[0]
    d = -2.0 * _vpu_cross(x1, x2)
    d = d + _vpu_rownorm(x1)
    d = d + _vpu_colnorm(x2)
    iota = jax.lax.broadcasted_iota(jnp.int32, (1, s), 1)
    acc = jnp.zeros((x1.shape[0], p2.shape[1]), jnp.float32)
    wsum = jnp.zeros((x1.shape[0], 1), jnp.float32)
    for _ in range(3):
        dmin = jnp.min(d, axis=-1, keepdims=True)
        ik = jnp.min(jnp.where(d == dmin, iota, s), axis=-1, keepdims=True)
        r = 1.0 / (dmin + 1e-8)
        onehot = (iota == ik).astype(jnp.float32)
        acc = acc + r * jnp.dot(onehot, p2,
                                preferred_element_type=jnp.float32)
        wsum = wsum + r
        d = jnp.where(iota == ik, jnp.float32(3.0e38), d)
    o_ref[0] = acc / wsum


def _interp_pallas(xyz1_tp, xyz2_p, points2_t, tile=512):
    B, N, _ = xyz1_tp.shape
    S = xyz2_p.shape[2]
    C = points2_t.shape[2]
    return pl.pallas_call(
        functools.partial(_interp_body, s=S),
        grid=(B, N // tile),
        in_specs=[
            pl.BlockSpec((1, tile, 8), lambda b, t: (b, t, 0)),
            pl.BlockSpec((1, 8, S), lambda b, t: (b, 0, 0)),
            pl.BlockSpec((1, S, C), lambda b, t: (b, 0, 0)),
        ],
        out_specs=pl.BlockSpec((1, tile, C), lambda b, t: (b, t, 0)),
        out_shape=jax.ShapeDtypeStruct((B, N, C), jnp.float32),
    )(xyz1_tp, xyz2_p, points2_t)



def _stage_stats_body(x_ref, w_ref, b_ref, sc_ref, sh_ref,
                      z_ref, s_ref, q_ref, *, act):
    x = x_ref[...] * sc_ref[...] + sh_ref[...]
    if act == 'relu':
        x = jnp.maximum(x, 0.0)
    elif act == 'leaky':
        x = jnp.where(x >= 0, x, 0.01 * x)
    z = jnp.dot(x, w_ref[...], preferred_element_type=jnp.float32)
    z = z + b_ref[...]
    z_ref[...] = z

    @pl.when(pl.program_id(0) == 0)
    def _():
        s_ref[...] = jnp.zeros_like(s_ref)
        q_ref[...] = jnp.zeros_like(q_ref)

    s_ref[...] += jnp.sum(z, axis=0, keepdims=True)
    q_ref[...] += jnp.sum(z * z, axis=0, keepdims=True)


def _stage_plain_body(x_ref, w_ref, b_ref, sc_ref, sh_ref, z_ref, *, act):
    x = x_ref[...] * sc_ref[...] + sh_ref[...]
    if act == 'relu':
        x = jnp.maximum(x, 0.0)
    elif act == 'leaky':
        x = jnp.where(x >= 0, x, 0.01 * x)
    z = jnp.dot(x, w_ref[...], preferred_element_type=jnp.float32)
    z_ref[...] = z + b_ref[...]


def _stage(x, Wt, b, scale, shift, act, want_stats, tile=512):
    R, Ci = x.shape
    Co = Wt.shape[1]
    grid = (R // tile,)
    in_specs = [
        pl.BlockSpec((tile, Ci), lambda i: (i, 0)),
        pl.BlockSpec((Ci, Co), lambda i: (0, 0)),
        pl.BlockSpec((1, Co), lambda i: (0, 0)),
        pl.BlockSpec((1, Ci), lambda i: (0, 0)),
        pl.BlockSpec((1, Ci), lambda i: (0, 0)),
    ]
    if want_stats:
        out = pl.pallas_call(
            functools.partial(_stage_stats_body, act=act),
            grid=grid,
            in_specs=in_specs,
            out_specs=[
                pl.BlockSpec((tile, Co), lambda i: (i, 0)),
                pl.BlockSpec((1, Co), lambda i: (0, 0)),
                pl.BlockSpec((1, Co), lambda i: (0, 0)),
            ],
            out_shape=[
                jax.ShapeDtypeStruct((R, Co), jnp.float32),
                jax.ShapeDtypeStruct((1, Co), jnp.float32),
                jax.ShapeDtypeStruct((1, Co), jnp.float32),
            ],
        )(x, Wt, b, scale, shift)
        return out
    z = pl.pallas_call(
        functools.partial(_stage_plain_body, act=act),
        grid=grid,
        in_specs=in_specs,
        out_specs=pl.BlockSpec((tile, Co), lambda i: (i, 0)),
        out_shape=jax.ShapeDtypeStruct((R, Co), jnp.float32),
    )(x, Wt, b, scale, shift)
    return z


def _bn_scale_shift(s, q, g, be, count):
    m = s[0] / count
    v = q[0] / count - m * m
    sc = g / jnp.sqrt(v + 1e-5)
    sh = be - m * sc
    return sc[None, :], sh[None, :]



def _set_abstraction(xyz_p, points, npoint, radius, nsample, layers):
    new_xyz_p = _fps_new_xyz(xyz_p, npoint)
    xyz_t = jnp.transpose(xyz_p[:, :3, :], (0, 2, 1))
    points_t = jnp.transpose(points, (0, 2, 1))
    new_xyz_tp = jnp.transpose(new_xyz_p, (0, 2, 1))
    new_xyz = new_xyz_tp[:, :, :3]
    sqrdists = _sqdist(new_xyz, xyz_t)
    N = xyz_t.shape[1]
    group_idx = jnp.broadcast_to(
        jnp.arange(N, dtype=jnp.int32)[None, None, :],
        (xyz_t.shape[0], npoint, N))
    group_idx = jnp.where(sqrdists > radius ** 2, N, group_idx)
    group_idx = jnp.sort(group_idx, axis=-1)[:, :, :nsample]
    group_first = jnp.broadcast_to(
        group_idx[:, :, :1], group_idx.shape)
    idx = jnp.where(group_idx == N, group_first, group_idx)
    grouped_xyz = _index_points(xyz_t, idx) - new_xyz[:, :, None, :]
    grouped_points = _index_points(points_t, idx)
    new_points = jnp.concatenate([grouped_xyz, grouped_points], axis=-1)
    new_points = jnp.transpose(new_points, (0, 3, 2, 1))
    for (W, b, g, be) in layers:
        new_points = jnp.einsum('oc,bcks->boks', W, new_points) \
            + b[None, :, None, None]
        new_points = jax.nn.relu(_bn(new_points, g, be, (0, 2, 3)))
    new_points = jnp.max(new_points, axis=2)
    return new_xyz_p, new_points


def _interp3(xyz1, xyz2, points2):
    xyz1_t = jnp.transpose(xyz1, (0, 2, 1))
    xyz2_t = jnp.transpose(xyz2, (0, 2, 1))
    points2_t = jnp.transpose(points2, (0, 2, 1))
    dists = _sqdist(xyz1_t, xyz2_t)
    idx3 = jnp.argsort(dists, axis=-1)[:, :, :3]
    d3 = jnp.take_along_axis(dists, idx3, axis=-1)
    dist_recip = 1.0 / (d3 + 1e-8)
    norm = jnp.sum(dist_recip, axis=2, keepdims=True)
    weight = dist_recip / norm
    return jnp.sum(_index_points(points2_t, idx3) * weight[..., None], axis=2)


def kernel(xyz, params):
    B, _, N = xyz.shape
    l0_points = xyz
    l0_xyz = xyz[:, :3, :]
    l0_xyz_p = jnp.concatenate(
        [l0_xyz, jnp.zeros((B, 5, N), jnp.float32)], axis=1)

    l1_xyz_p, l1_points = _set_abstraction(
        l0_xyz_p, l0_points, 128, 0.3, 32, params['sa1'])
    l4_xyz_p, l4_points = _set_abstraction(
        l1_xyz_p, l1_points, 64, 0.6, 32, params['sa2'])

    interp2 = _interp3(l1_xyz_p[:, :3, :], l4_xyz_p[:, :3, :], l4_points)
    new_points = jnp.concatenate(
        [jnp.transpose(l1_points, (0, 2, 1)), interp2], axis=-1)
    new_points = jnp.transpose(new_points, (0, 2, 1))
    for (W, b, g, be) in params['fp2']:
        new_points = jnp.einsum('oc,bcn->bon', W, new_points) \
            + b[None, :, None]
        new_points = jax.nn.relu(_bn(new_points, g, be, (0, 2)))
    l1_points = new_points

    interp1 = _interp3(
        l0_xyz_p[:, :3, :], l1_xyz_p[:, :3, :], l1_points)
    R = B * N
    x = interp1.reshape(R, interp1.shape[-1])

    (W1, b1, g1, be1), (W2, b2, g2, be2), (W3, b3, g3, be3) = params['fp1']
    ones = jnp.ones((1, x.shape[1]), jnp.float32)
    zeros = jnp.zeros((1, x.shape[1]), jnp.float32)

    z1, s1, q1 = _stage(x, W1.T, b1[None, :], ones, zeros, 'none', True)
    sc, sh = _bn_scale_shift(s1, q1, g1, be1, R)
    z2, s2, q2 = _stage(z1, W2.T, b2[None, :], sc, sh, 'relu', True)
    sc, sh = _bn_scale_shift(s2, q2, g2, be2, R)
    z3, s3, q3 = _stage(z2, W3.T, b3[None, :], sc, sh, 'relu', True)
    sc, sh = _bn_scale_shift(s3, q3, g3, be3, R)
    z4, s4, q4 = _stage(z3, params['conv1_w'].T,
                        params['conv1_b'][None, :], sc, sh, 'relu', True)
    sc, sh = _bn_scale_shift(s4, q4, params['bn1_g'], params['bn1_b'], R)
    w2p = jnp.zeros((128, 8), jnp.float32).at[:, 0].set(params['conv2_w'][0])
    b2p = jnp.zeros((1, 8), jnp.float32).at[0, 0].set(params['conv2_b'][0])
    z5 = _stage(z4, w2p, b2p, sc, sh, 'leaky', False)

    x_out = z5[:, :1].reshape(B, N, 1).transpose(0, 2, 1)
    return x_out, l4_points

# --- scband reference (transcript-rebuilt; emitter-appended) ---
"""Pipeline reference for scband-point-net2-14697378087179 (READ-ONLY COPY).

The authoritative reference and input builder live on the scoring server;
editing this copy changes nothing except your own understanding.
"""

import jax, jax.numpy as jnp
import numpy as np


def square_distance(src, dst):
    dist = -2.0 * jnp.matmul(src, jnp.transpose(dst, (0, 2, 1)))
    dist = dist + jnp.sum(src ** 2, axis=-1)[:, :, None]
    dist = dist + jnp.sum(dst ** 2, axis=-1)[:, None, :]
    return dist


def index_points(points, idx):
    B = points.shape[0]
    batch_idx = jnp.arange(B).reshape((B,) + (1,) * (idx.ndim - 1))
    return points[batch_idx, idx]


def farthest_point_sample(xyz, npoint):
    xyz = jax.lax.stop_gradient(xyz)
    B, N, _ = xyz.shape
    centroids = []
    distance = jnp.full((B, N), 1e10, dtype=xyz.dtype)
    farthest = jnp.zeros((B,), dtype=jnp.int32)
    for i in range(npoint):
        centroids.append(farthest)
        centroid = jnp.take_along_axis(xyz, farthest[:, None, None], axis=1)
        dist = jnp.sum((xyz - centroid) ** 2, axis=-1)
        distance = jnp.minimum(distance, dist)
        farthest = jnp.argmax(distance, axis=-1).astype(jnp.int32)
    return jnp.stack(centroids, axis=1)


def query_ball_point(radius, nsample, xyz, new_xyz):
    B, N, _ = xyz.shape
    S = new_xyz.shape[1]
    sqrdists = square_distance(new_xyz, xyz)
    group_idx = jnp.broadcast_to(jnp.arange(N, dtype=jnp.int32)[None, None, :], (B, S, N))
    group_idx = jnp.where(sqrdists > radius ** 2, N, group_idx)
    group_idx = jnp.sort(group_idx, axis=-1)[:, :, :nsample]
    group_first = jnp.broadcast_to(group_idx[:, :, :1], (B, S, nsample))
    group_idx = jnp.where(group_idx == N, group_first, group_idx)
    return group_idx


def batchnorm(x, gamma, beta, axes):
    mean = jnp.mean(x, axis=axes, keepdims=True)
    var = jnp.var(x, axis=axes, keepdims=True)
    xh = (x - mean) / jnp.sqrt(var + 1e-5)
    shape = [1] * x.ndim
    shape[1] = x.shape[1]
    return xh * gamma.reshape(shape) + beta.reshape(shape)


def set_abstraction(xyz, points, npoint, radius, nsample, layers):
    xyz_t = jnp.transpose(xyz, (0, 2, 1))
    points_t = jnp.transpose(points, (0, 2, 1))
    fps_idx = farthest_point_sample(xyz_t, npoint)
    new_xyz = index_points(xyz_t, fps_idx)
    idx = query_ball_point(radius, nsample, xyz_t, new_xyz)
    grouped_xyz = index_points(xyz_t, idx) - new_xyz[:, :, None, :]
    grouped_points = index_points(points_t, idx)
    new_points = jnp.concatenate([grouped_xyz, grouped_points], axis=-1)
    new_points = jnp.transpose(new_points, (0, 3, 2, 1))
    for (W, b, g, be) in layers:
        new_points = jnp.einsum('oc,bcks->boks', W, new_points) + b[None, :, None, None]
        new_points = jax.nn.relu(batchnorm(new_points, g, be, (0, 2, 3)))
    new_points = jnp.max(new_points, axis=2)
    return jnp.transpose(new_xyz, (0, 2, 1)), new_points


def feature_propagation(xyz1, xyz2, points1, points2, layers):
    xyz1_t = jnp.transpose(xyz1, (0, 2, 1))
    xyz2_t = jnp.transpose(xyz2, (0, 2, 1))
    points2_t = jnp.transpose(points2, (0, 2, 1))
    dists = square_distance(xyz1_t, xyz2_t)
    idx3 = jnp.argsort(dists, axis=-1)[:, :, :3]
    d3 = jnp.take_along_axis(dists, idx3, axis=-1)
    dist_recip = 1.0 / (d3 + 1e-8)
    norm = jnp.sum(dist_recip, axis=2, keepdims=True)
    weight = dist_recip / norm
    interp = jnp.sum(index_points(points2_t, idx3) * weight[..., None], axis=2)
    if points1 is not None:
        new_points = jnp.concatenate([jnp.transpose(points1, (0, 2, 1)), interp], axis=-1)
    else:
        new_points = interp
    new_points = jnp.transpose(new_points, (0, 2, 1))
    for (W, b, g, be) in layers:
        new_points = jnp.einsum('oc,bcn->bon', W, new_points) + b[None, :, None]
        new_points = jax.nn.relu(batchnorm(new_points, g, be, (0, 2)))
    return new_points


def pointnet2_forward(xyz, params):
    l0_points = xyz
    l0_xyz = xyz[:, :3, :]
    l1_xyz, l1_points = set_abstraction(l0_xyz, l0_points, 128, 0.3, 32, params['sa1'])
    l4_xyz, l4_points = set_abstraction(l1_xyz, l1_points, 64, 0.6, 32, params['sa2'])
    l1_points = feature_propagation(l1_xyz, l4_xyz, l1_points, l4_points, params['fp2'])
    l0_points = feature_propagation(l0_xyz, l1_xyz, None, l1_points, params['fp1'])
    x = jnp.einsum('oc,bcn->bon', params['conv1_w'], l0_points) + params['conv1_b'][None, :, None]
    x = batchnorm(x, params['bn1_g'], params['bn1_b'], (0, 2))
    x = jnp.where(x >= 0, x, 0.01 * x)
    x = jnp.einsum('oc,bcn->bon', params['conv2_w'], x) + params['conv2_b'][None, :, None]
    return x, l4_points


def make_mlp(key, dims):
    layers = []
    for i in range(len(dims) - 1):
        key, k1 = jax.random.split(key)
        W = jax.random.normal(k1, (dims[i + 1], dims[i]), dtype=jnp.float32) * 0.1
        b = jnp.zeros((dims[i + 1],), dtype=jnp.float32)
        g = jnp.ones((dims[i + 1],), dtype=jnp.float32)
        be = jnp.zeros((dims[i + 1],), dtype=jnp.float32)
        layers.append((W, b, g, be))
    return layers, key


def setup_inputs(seed: int = 0):
    key = jax.random.key(seed)
    key, kx = jax.random.split(key)
    xyz = jax.random.normal(kx, (16, 35, 8192), dtype=jnp.float32)
    params = {}
    params['sa1'], key = make_mlp(key, [38, 32, 32, 64])
    params['sa2'], key = make_mlp(key, [67, 64, 64, 128])
    params['fp2'], key = make_mlp(key, [192, 256, 128])
    params['fp1'], key = make_mlp(key, [128, 128, 128, 128])
    key, k1, k2 = jax.random.split(key, 3)
    params['conv1_w'] = jax.random.normal(k1, (128, 128), dtype=jnp.float32) * 0.1
    params['conv1_b'] = jnp.zeros((128,), dtype=jnp.float32)
    params['bn1_g'] = jnp.ones((128,), dtype=jnp.float32)
    params['bn1_b'] = jnp.zeros((128,), dtype=jnp.float32)
    params['conv2_w'] = jax.random.normal(k2, (1, 128), dtype=jnp.float32) * 0.1
    params['conv2_b'] = jnp.zeros((1,), dtype=jnp.float32)
    return {'xyz': xyz, 'params': params}


def reference(xyz, params):
    return pointnet2_forward(xyz, params)

if __name__ == "__main__":
    import jax
    _d = setup_inputs()
    print(jax.jit(kernel)(*tuple(_d.values())))

</pallas_src>

<mosaic_0001>
module attributes {stable_mosaic.version = 14 : i64} {
  func.func @_fps_body(%arg0: i32, %arg1: memref<1x8x8192xf32, #tpu.memory_space<vmem>>, %arg2: memref<1x8x128xf32, #tpu.memory_space<vmem>>) attributes {dimension_semantics = [#tpu.dimension_semantics<arbitrary>], iteration_bounds = array<i64: 16>, scalar_prefetch = 0 : i64, scratch_operands = 0 : i64, tpu.core_type = #tpu.core_type<tc>, window_params = [{transform_indices = @transform_0, window_bounds = array<i64: 1, 8, 8192>}, {transform_indices = @transform_1, window_bounds = array<i64: 1, 8, 128>}]} {
    %get3A = arith.constant 0 : index
    %get3A_0 = arith.constant 0 : index
    %get3A_1 = arith.constant 0 : index
    %get3A_2 = vector.load %arg1[%get3A, %get3A_0, %get3A_1] : memref<1x8x8192xf32, #tpu.memory_space<vmem>>, vector<1x8x8192xf32>
    %get3A_3 = vector.shape_cast %get3A_2 : vector<1x8x8192xf32> to vector<8x8192xf32>
    %iota3A = tpu.iota {dimensions = array<i32: 1>} : vector<8x128xi32>
    %iota3A_4 = tpu.iota {dimensions = array<i32: 1>} : vector<1x8192xi32>
    %broadcast_in_dim3A = arith.constant 1.000000e+10 : f32
    %broadcast_in_dim3A_5 = vector.broadcast %broadcast_in_dim3A : f32 to vector<1x8192xf32>
    %broadcast_in_dim3A_6 = arith.constant 0.000000e+00 : f32
    %broadcast_in_dim3A_7 = vector.broadcast %broadcast_in_dim3A_6 : f32 to vector<8x128xf32>
    %scan3A = arith.constant 0 : i32
    %scan3A_8 = arith.constant 0 : i32
    %scan3A_9 = arith.constant 128 : i32
    %scan3A_10 = arith.addi %scan3A_8, %scan3A_9 : i32
    %scan3A_11 = arith.constant 1 : i32
    %scan3A_12:3 = scf.for %scan3A_19 = %scan3A_8 to %scan3A_10 step %scan3A_11 iter_args(%scan3A_20 = %broadcast_in_dim3A_5, %scan3A_21 = %scan3A, %scan3A_22 = %broadcast_in_dim3A_7) -> (vector<1x8192xf32>, i32, vector<8x128xf32>)  : i32 {
      %eq3A = vector.broadcast %scan3A_21 : i32 to vector<1x8192xi32>
      %eq3A_23 = arith.cmpi eq, %iota3A_4, %eq3A : vector<1x8192xi32>
      %jit3A = arith.constant 0.000000e+00 : f32
      %broadcast_in_dim3A_24 = vector.shape_cast %eq3A_23 : vector<1x8192xi1> to vector<1x8192xi1>
      %broadcast_in_dim3A_25 = vector.broadcast %broadcast_in_dim3A_24 : vector<1x8192xi1> to vector<8x8192xi1>
      %broadcast_in_dim3A_26 = vector.broadcast %jit3A : f32 to vector<8x8192xf32>
      %select_n3A = arith.select %broadcast_in_dim3A_25, %get3A_3, %broadcast_in_dim3A_26 : vector<8x8192xi1>, vector<8x8192xf32>
      %reduce_sum3A = arith.constant dense<0.000000e+00> : vector<8xf32>
      %reduce_sum3A_27 = vector.multi_reduction <add>, %select_n3A, %reduce_sum3A [1] : vector<8x8192xf32> to vector<8xf32>
      %broadcast_in_dim3A_28 = vector.shape_cast %reduce_sum3A_27 : vector<8xf32> to vector<8x1xf32>
      %eq3A_29 = vector.broadcast %scan3A_19 : i32 to vector<8x128xi32>
      %eq3A_30 = arith.cmpi eq, %iota3A, %eq3A_29 : vector<8x128xi32>
      %broadcast_in_dim3A_31 = vector.shape_cast %broadcast_in_dim3A_28 : vector<8x1xf32> to vector<8x1xf32>
      %broadcast_in_dim3A_32 = vector.broadcast %broadcast_in_dim3A_31 : vector<8x1xf32> to vector<8x128xf32>
      %select_n3A_33 = arith.select %eq3A_30, %broadcast_in_dim3A_32, %scan3A_22 : vector<8x128xi1>, vector<8x128xf32>
      %sub3A = vector.broadcast %broadcast_in_dim3A_28 : vector<8x1xf32> to vector<8x8192xf32>
      %sub3A_34 = arith.subf %get3A_3, %sub3A : vector<8x8192xf32>
      %integer_pow3A = arith.mulf %sub3A_34, %sub3A_34 : vector<8x8192xf32>
      %reduce_sum3A_35 = arith.constant dense<0.000000e+00> : vector<8192xf32>
      %reduce_sum3A_36 = vector.multi_reduction <add>, %integer_pow3A, %reduce_sum3A_35 [0] : vector<8x8192xf32> to vector<8192xf32>
      %broadcast_in_dim3A_37 = vector.shape_cast %reduce_sum3A_36 : vector<8192xf32> to vector<1x8192xf32>
      %min3A = arith.minimumf %scan3A_20, %broadcast_in_dim3A_37 : vector<1x8192xf32>
      %reduce_max3A = vector.shape_cast %min3A : vector<1x8192xf32> to vector<1x1x8192xf32>
      %reduce_max3A_38 = arith.constant dense<0xFF800000> : vector<1xf32>
      %reduce_max3A_39 = vector.multi_reduction <maximumf>, %reduce_max3A, %reduce_max3A_38 [1, 2] : vector<1x1x8192xf32> to vector<1xf32>
      %reduce_max3A_40 = vector.shape_cast %reduce_max3A_39 : vector<1xf32> to vector<1x1x1xf32>
      %reduce_max3A_41 = vector.extract %reduce_max3A_40[0, 0, 0] : f32 from vector<1x1x1xf32>
      %eq3A_42 = vector.broadcast %reduce_max3A_41 : f32 to vector<1x8192xf32>
      %eq3A_43 = arith.cmpf oeq, %min3A, %eq3A_42 : vector<1x8192xf32>
      %jit3A_44 = arith.constant 8192 : i32
      %broadcast_in_dim3A_45 = vector.broadcast %jit3A_44 : i32 to vector<1x8192xi32>
      %select_n3A_46 = arith.select %eq3A_43, %iota3A_4, %broadcast_in_dim3A_45 : vector<1x8192xi1>, vector<1x8192xi32>
      %reduce_min3A = vector.shape_cast %select_n3A_46 : vector<1x8192xi32> to vector<1x1x8192xi32>
      %reduce_min3A_47 = arith.constant dense<2147483647> : vector<1xi32>
      %reduce_min3A_48 = vector.multi_reduction <minsi>, %reduce_min3A, %reduce_min3A_47 [1, 2] : vector<1x1x8192xi32> to vector<1xi32>
      %reduce_min3A_49 = vector.shape_cast %reduce_min3A_48 : vector<1xi32> to vector<1x1x1xi32>
      %reduce_min3A_50 = vector.extract %reduce_min3A_49[0, 0, 0] : i32 from vector<1x1x1xi32>
      scf.yield %min3A, %reduce_min3A_50, %select_n3A_33 : vector<1x8192xf32>, i32, vector<8x128xf32>
    }
    %scan3A_13 = arith.constant 128 : i32
    %swap3A = arith.constant 0 : index
    %swap3A_14 = arith.constant 0 : index
    %swap3A_15 = arith.constant 0 : index
    %swap3A_16 = vector.load %arg2[%swap3A, %swap3A_14, %swap3A_15] : memref<1x8x128xf32, #tpu.memory_space<vmem>>, vector<1x8x128xf32>
    %swap3A_17 = vector.shape_cast %swap3A_16 : vector<1x8x128xf32> to vector<8x128xf32>
    %swap3A_18 = vector.shape_cast %scan3A_12#2 : vector<8x128xf32> to vector<1x8x128xf32>
    tpu.vector_store %arg2[%swap3A, %swap3A_14, %swap3A_15], %swap3A_18 {strides = array<i32>} : memref<1x8x128xf32, #tpu.memory_space<vmem>>, vector<1x8x128xf32>,
    return
  }
  func.func @transform_0(%arg0: i32) -> (i32, i32, i32) {
    %c0_i32 = arith.constant 0 : i32
    %c0_i32_0 = arith.constant 0 : i32
    %c0_i32_1 = arith.constant 0 : i32
    return %arg0, %c0_i32, %c0_i32_0 : i32, i32, i32
  }
  func.func @transform_1(%arg0: i32) -> (i32, i32, i32) {
    %c0_i32 = arith.constant 0 : i32
    %c0_i32_0 = arith.constant 0 : i32
    %c0_i32_1 = arith.constant 0 : i32
    return %arg0, %c0_i32, %c0_i32_0 : i32, i32, i32
  }
}

module attributes {stable_mosaic.version = 14 : i64} {
  func.func @_fps_body(%arg0: i32, %arg1: memref<1x8x128xf32, #tpu.memory_space<vmem>>, %arg2: memref<1x8x64xf32, #tpu.memory_space<vmem>>) attributes {dimension_semantics = [#tpu.dimension_semantics<arbitrary>], iteration_bounds = array<i64: 16>, scalar_prefetch = 0 : i64, scratch_operands = 0 : i64, tpu.core_type = #tpu.core_type<tc>, window_params = [{transform_indices = @transform_0, window_bounds = array<i64: 1, 8, 128>}, {transform_indices = @transform_1, window_bounds = array<i64: 1, 8, 64>}]} {
    %get3A = arith.constant 0 : index
    %get3A_0 = arith.constant 0 : index
    %get3A_1 = arith.constant 0 : index
    %get3A_2 = vector.load %arg1[%get3A, %get3A_0, %get3A_1] : memref<1x8x128xf32, #tpu.memory_space<vmem>>, vector<1x8x128xf32>
    %get3A_3 = vector.shape_cast %get3A_2 : vector<1x8x128xf32> to vector<8x128xf32>
    %iota3A = tpu.iota {dimensions = array<i32: 1>} : vector<8x64xi32>
    %iota3A_4 = tpu.iota {dimensions = array<i32: 1>} : vector<1x128xi32>
    %broadcast_in_dim3A = arith.constant 1.000000e+10 : f32
    %broadcast_in_dim3A_5 = vector.broadcast %broadcast_in_dim3A : f32 to vector<1x128xf32>
    %broadcast_in_dim3A_6 = arith.constant 0.000000e+00 : f32
    %broadcast_in_dim3A_7 = vector.broadcast %broadcast_in_dim3A_6 : f32 to vector<8x64xf32>
    %scan3A = arith.constant 0 : i32
    %scan3A_8 = arith.constant 0 : i32
    %scan3A_9 = arith.constant 64 : i32
    %scan3A_10 = arith.addi %scan3A_8, %scan3A_9 : i32
    %scan3A_11 = arith.constant 1 : i32
    %scan3A_12:3 = scf.for %scan3A_19 = %scan3A_8 to %scan3A_10 step %scan3A_11 iter_args(%scan3A_20 = %broadcast_in_dim3A_5, %scan3A_21 = %scan3A, %scan3A_22 = %broadcast_in_dim3A_7) -> (vector<1x128xf32>, i32, vector<8x64xf32>)  : i32 {
      %eq3A = vector.broadcast %scan3A_21 : i32 to vector<1x128xi32>
      %eq3A_23 = arith.cmpi eq, %iota3A_4, %eq3A : vector<1x128xi32>
      %jit3A = arith.constant 0.000000e+00 : f32
      %broadcast_in_dim3A_24 = vector.shape_cast %eq3A_23 : vector<1x128xi1> to vector<1x128xi1>
      %broadcast_in_dim3A_25 = vector.broadcast %broadcast_in_dim3A_24 : vector<1x128xi1> to vector<8x128xi1>
      %broadcast_in_dim3A_26 = vector.broadcast %jit3A : f32 to vector<8x128xf32>
      %select_n3A = arith.select %broadcast_in_dim3A_25, %get3A_3, %broadcast_in_dim3A_26 : vector<8x128xi1>, vector<8x128xf32>
      %reduce_sum3A = arith.constant dense<0.000000e+00> : vector<8xf32>
      %reduce_sum3A_27 = vector.multi_reduction <add>, %select_n3A, %reduce_sum3A [1] : vector<8x128xf32> to vector<8xf32>
      %broadcast_in_dim3A_28 = vector.shape_cast %reduce_sum3A_27 : vector<8xf32> to vector<8x1xf32>
      %eq3A_29 = vector.broadcast %scan3A_19 : i32 to vector<8x64xi32>
      %eq3A_30 = arith.cmpi eq, %iota3A, %eq3A_29 : vector<8x64xi32>
      %broadcast_in_dim3A_31 = vector.shape_cast %broadcast_in_dim3A_28 : vector<8x1xf32> to vector<8x1xf32>
      %broadcast_in_dim3A_32 = vector.broadcast %broadcast_in_dim3A_31 : vector<8x1xf32> to vector<8x64xf32>
      %select_n3A_33 = arith.select %eq3A_30, %broadcast_in_dim3A_32, %scan3A_22 : vector<8x64xi1>, vector<8x64xf32>
      %sub3A = vector.broadcast %broadcast_in_dim3A_28 : vector<8x1xf32> to vector<8x128xf32>
      %sub3A_34 = arith.subf %get3A_3, %sub3A : vector<8x128xf32>
      %integer_pow3A = arith.mulf %sub3A_34, %sub3A_34 : vector<8x128xf32>
      %reduce_sum3A_35 = arith.constant dense<0.000000e+00> : vector<128xf32>
      %reduce_sum3A_36 = vector.multi_reduction <add>, %integer_pow3A, %reduce_sum3A_35 [0] : vector<8x128xf32> to vector<128xf32>
      %broadcast_in_dim3A_37 = vector.shape_cast %reduce_sum3A_36 : vector<128xf32> to vector<1x128xf32>
      %min3A = arith.minimumf %scan3A_20, %broadcast_in_dim3A_37 : vector<1x128xf32>
      %reduce_max3A = vector.shape_cast %min3A : vector<1x128xf32> to vector<1x1x128xf32>
      %reduce_max3A_38 = arith.constant dense<0xFF800000> : vector<1xf32>
      %reduce_max3A_39 = vector.multi_reduction <maximumf>, %reduce_max3A, %reduce_max3A_38 [1, 2] : vector<1x1x128xf32> to vector<1xf32>
      %reduce_max3A_40 = vector.shape_cast %reduce_max3A_39 : vector<1xf32> to vector<1x1x1xf32>
      %reduce_max3A_41 = vector.extract %reduce_max3A_40[0, 0, 0] : f32 from vector<1x1x1xf32>
      %eq3A_42 = vector.broadcast %reduce_max3A_41 : f32 to vector<1x128xf32>
      %eq3A_43 = arith.cmpf oeq, %min3A, %eq3A_42 : vector<1x128xf32>
      %jit3A_44 = arith.constant 128 : i32
      %broadcast_in_dim3A_45 = vector.broadcast %jit3A_44 : i32 to vector<1x128xi32>
      %select_n3A_46 = arith.select %eq3A_43, %iota3A_4, %broadcast_in_dim3A_45 : vector<1x128xi1>, vector<1x128xi32>
      %reduce_min3A = vector.shape_cast %select_n3A_46 : vector<1x128xi32> to vector<1x1x128xi32>
      %reduce_min3A_47 = arith.constant dense<2147483647> : vector<1xi32>
      %reduce_min3A_48 = vector.multi_reduction <minsi>, %reduce_min3A, %reduce_min3A_47 [1, 2] : vector<1x1x128xi32> to vector<1xi32>
      %reduce_min3A_49 = vector.shape_cast %reduce_min3A_48 : vector<1xi32> to vector<1x1x1xi32>
      %reduce_min3A_50 = vector.extract %reduce_min3A_49[0, 0, 0] : i32 from vector<1x1x1xi32>
      scf.yield %min3A, %reduce_min3A_50, %select_n3A_33 : vector<1x128xf32>, i32, vector<8x64xf32>
    }
    %scan3A_13 = arith.constant 64 : i32
    %swap3A = arith.constant 0 : index
    %swap3A_14 = arith.constant 0 : index
    %swap3A_15 = arith.constant 0 : index
    %swap3A_16 = vector.load %arg2[%swap3A, %swap3A_14, %swap3A_15] : memref<1x8x64xf32, #tpu.memory_space<vmem>>, vector<1x8x64xf32>
    %swap3A_17 = vector.shape_cast %swap3A_16 : vector<1x8x64xf32> to vector<8x64xf32>
    %swap3A_18 = vector.shape_cast %scan3A_12#2 : vector<8x64xf32> to vector<1x8x64xf32>
    tpu.vector_store %arg2[%swap3A, %swap3A_14, %swap3A_15], %swap3A_18 {strides = array<i32>} : memref<1x8x64xf32, #tpu.memory_space<vmem>>, vector<1x8x64xf32>,
    return
  }
  func.func @transform_0(%arg0: i32) -> (i32, i32, i32) {
    %c0_i32 = arith.constant 0 : i32
    %c0_i32_0 = arith.constant 0 : i32
    %c0_i32_1 = arith.constant 0 : i32
    return %arg0, %c0_i32, %c0_i32_0 : i32, i32, i32
  }
  func.func @transform_1(%arg0: i32) -> (i32, i32, i32) {
    %c0_i32 = arith.constant 0 : i32
    %c0_i32_0 = arith.constant 0 : i32
    %c0_i32_1 = arith.constant 0 : i32
    return %arg0, %c0_i32, %c0_i32_0 : i32, i32, i32
  }
}

module attributes {stable_mosaic.version = 14 : i64} {
  func.func @_stage_stats_body(%arg0: i32, %arg1: memref<512x128xf32, #tpu.memory_space<vmem>>, %arg2: memref<128x128xf32, #tpu.memory_space<vmem>>, %arg3: memref<1x128xf32, #tpu.memory_space<vmem>>, %arg4: memref<1x128xf32, #tpu.memory_space<vmem>>, %arg5: memref<1x128xf32, #tpu.memory_space<vmem>>, %arg6: memref<512x128xf32, #tpu.memory_space<vmem>>, %arg7: memref<1x128xf32, #tpu.memory_space<vmem>>, %arg8: memref<1x128xf32, #tpu.memory_space<vmem>>) attributes {dimension_semantics = [#tpu.dimension_semantics<arbitrary>], iteration_bounds = array<i64: 256>, scalar_prefetch = 0 : i64, scratch_operands = 0 : i64, tpu.core_type = #tpu.core_type<tc>, window_params = [{transform_indices = @transform_0, window_bounds = array<i64: 512, 128>}, {pipeline_mode = #tpu.pipeline_mode<synchronous>, transform_indices = @transform_1, window_bounds = array<i64: 128, 128>}, {pipeline_mode = #tpu.pipeline_mode<synchronous>, transform_indices = @transform_2, window_bounds = array<i64: 1, 128>}, {pipeline_mode = #tpu.pipeline_mode<synchronous>, transform_indices = @transform_3, window_bounds = array<i64: 1, 128>}, {pipeline_mode = #tpu.pipeline_mode<synchronous>, transform_indices = @transform_4, window_bounds = array<i64: 1, 128>}, {transform_indices = @transform_5, window_bounds = array<i64: 512, 128>}, {pipeline_mode = #tpu.pipeline_mode<synchronous>, transform_indices = @transform_6, window_bounds = array<i64: 1, 128>}, {pipeline_mode = #tpu.pipeline_mode<synchronous>, transform_indices = @transform_7, window_bounds = array<i64: 1, 128>}]} {
    %get3A = arith.constant 0 : index
    %get3A_0 = arith.constant 0 : index
    %get3A_1 = vector.load %arg1[%get3A, %get3A_0] : memref<512x128xf32, #tpu.memory_space<vmem>>, vector<512x128xf32>
    %get3A_2 = arith.constant 0 : index
    %get3A_3 = arith.constant 0 : index
    %get3A_4 = vector.load %arg4[%get3A_2, %get3A_3] : memref<1x128xf32, #tpu.memory_space<vmem>>, vector<1x128xf32>
    %mul3A = vector.broadcast %get3A_4 : vector<1x128xf32> to vector<512x128xf32>
    %mul3A_5 = arith.mulf %get3A_1, %mul3A : vector<512x128xf32>
    %get3A_6 = arith.constant 0 : index
    %get3A_7 = arith.constant 0 : index
    %get3A_8 = vector.load %arg5[%get3A_6, %get3A_7] : memref<1x128xf32, #tpu.memory_space<vmem>>, vector<1x128xf32>
    %add3A = vector.broadcast %get3A_8 : vector<1x128xf32> to vector<512x128xf32>
    %add3A_9 = arith.addf %mul3A_5, %add3A : vector<512x128xf32>
    %get3A_10 = arith.constant 0 : index
    %get3A_11 = arith.constant 0 : index
    %get3A_12 = vector.load %arg2[%get3A_10, %get3A_11] : memref<128x128xf32, #tpu.memory_space<vmem>>, vector<128x128xf32>
    %dot_general3A = arith.constant dense<0.000000e+00> : vector<512x128xf32>
    %dot_general3A_13 = tpu.matmul %add3A_9, %get3A_12, %dot_general3A {dimension_numbers = #tpu.dot_dimension_numbers<[1], [0], [0], [1], [0, 0, 1, 1], [], []>, transpose_lhs_hint = false} : vector<512x128xf32>, vector<128x128xf32>, vector<512x128xf32> -> vector<512x128xf32>
    %get3A_14 = arith.constant 0 : index
    %get3A_15 = arith.constant 0 : index
    %get3A_16 = vector.load %arg3[%get3A_14, %get3A_15] : memref<1x128xf32, #tpu.memory_space<vmem>>, vector<1x128xf32>
    %add3A_17 = vector.broadcast %get3A_16 : vector<1x128xf32> to vector<512x128xf32>
    %add3A_18 = arith.addf %dot_general3A_13, %add3A_17 : vector<512x128xf32>
    %swap3A = arith.constant 0 : index
    %swap3A_19 = arith.constant 0 : index
    %swap3A_20 = vector.load %arg6[%swap3A, %swap3A_19] : memref<512x128xf32, #tpu.memory_space<vmem>>, vector<512x128xf32>
    tpu.vector_store %arg6[%swap3A, %swap3A_19], %add3A_18 {strides = array<i32>} : memref<512x128xf32, #tpu.memory_space<vmem>>, vector<512x128xf32>,
    %eq3A = arith.constant 0 : i32
    %eq3A_21 = arith.cmpi eq, %arg0, %eq3A : i32
    %convert_element_type3A = arith.extui %eq3A_21 : i1 to i32
    %cond3A = arith.constant 0 : i32
    %cond3A_22 = arith.cmpi ne, %convert_element_type3A, %cond3A : i32
    scf.if %cond3A_22 {
      %broadcast_in_dim3A_42 = arith.constant 0.000000e+00 : f32
      %broadcast_in_dim3A_43 = vector.broadcast %broadcast_in_dim3A_42 : f32 to vector<1x128xf32>
      %swap3A_44 = arith.constant 0 : index
      %swap3A_45 = arith.constant 0 : index
      %swap3A_46 = vector.load %arg7[%swap3A_44, %swap3A_45] : memref<1x128xf32, #tpu.memory_space<vmem>>, vector<1x128xf32>
      tpu.vector_store %arg7[%swap3A_44, %swap3A_45], %broadcast_in_dim3A_43 {strides = array<i32>} : memref<1x128xf32, #tpu.memory_space<vmem>>, vector<1x128xf32>,
      %broadcast_in_dim3A_47 = arith.constant 0.000000e+00 : f32
      %broadcast_in_dim3A_48 = vector.broadcast %broadcast_in_dim3A_47 : f32 to vector<1x128xf32>
      %swap3A_49 = arith.constant 0 : index
      %swap3A_50 = arith.constant 0 : index
      %swap3A_51 = vector.load %arg8[%swap3A_49, %swap3A_50] : memref<1x128xf32, #tpu.memory_space<vmem>>, vector<1x128xf32>
      tpu.vector_store %arg8[%swap3A_49, %swap3A_50], %broadcast_in_dim3A_48 {strides = array<i32>} : memref<1x128xf32, #tpu.memory_space<vmem>>, vector<1x128xf32>,
    } else {
    }
    %get3A_23 = arith.constant 0 : index
    %get3A_24 = arith.constant 0 : index
    %get3A_25 = vector.load %arg7[%get3A_23, %get3A_24] : memref<1x128xf32, #tpu.memory_space<vmem>>, vector<1x128xf32>
    %reduce_sum3A = arith.constant dense<0.000000e+00> : vector<128xf32>
    %reduce_sum3A_26 = vector.multi_reduction <add>, %add3A_18, %reduce_sum3A [0] : vector<512x128xf32> to vector<128xf32>
    %broadcast_in_dim3A = vector.shape_cast %reduce_sum3A_26 : vector<128xf32> to vector<1x128xf32>
    %add3A_27 = arith.addf %get3A_25, %broadcast_in_dim3A : vector<1x128xf32>
    %swap3A_28 = arith.constant 0 : index
    %swap3A_29 = arith.constant 0 : index
    %swap3A_30 = vector.load %arg7[%swap3A_28, %swap3A_29] : memref<1x128xf32, #tpu.memory_space<vmem>>, vector<1x128xf32>
    tpu.vector_store %arg7[%swap3A_28, %swap3A_29], %add3A_27 {strides = array<i32>} : memref<1x128xf32, #tpu.memory_space<vmem>>, vector<1x128xf32>,
    %get3A_31 = arith.constant 0 : index
    %get3A_32 = arith.constant 0 : index
    %get3A_33 = vector.load %arg8[%get3A_31, %get3A_32] : memref<1x128xf32, #tpu.memory_space<vmem>>, vector<1x128xf32>
    %mul3A_34 = arith.mulf %add3A_18, %add3A_18 : vector<512x128xf32>
    %reduce_sum3A_35 = arith.constant dense<0.000000e+00> : vector<128xf32>
    %reduce_sum3A_36 = vector.multi_reduction <add>, %mul3A_34, %reduce_sum3A_35 [0] : vector<512x128xf32> to vector<128xf32>
    %broadcast_in_dim3A_37 = vector.shape_cast %reduce_sum3A_36 : vector<128xf32> to vector<1x128xf32>
    %add3A_38 = arith.addf %get3A_33, %broadcast_in_dim3A_37 : vector<1x128xf32>
    %swap3A_39 = arith.constant 0 : index
    %swap3A_40 = arith.constant 0 : index
    %swap3A_41 = vector.load %arg8[%swap3A_39, %swap3A_40] : memref<1x128xf32, #tpu.memory_space<vmem>>, vector<1x128xf32>
    tpu.vector_store %arg8[%swap3A_39, %swap3A_40], %add3A_38 {strides = array<i32>} : memref<1x128xf32, #tpu.memory_space<vmem>>, vector<1x128xf32>,
    return
  }
  func.func @transform_0(%arg0: i32) -> (i32, i32) {
    %c0_i32 = arith.constant 0 : i32
    %c0_i32_0 = arith.constant 0 : i32
    return %arg0, %c0_i32 : i32, i32
  }
  func.func @transform_1(%arg0: i32) -> (i32, i32) {
    %c0_i32 = arith.constant 0 : i32
    %c0_i32_0 = arith.constant 0 : i32
    %c0_i32_1 = arith.constant 0 : i32
    return %c0_i32, %c0_i32_0 : i32, i32
  }
  func.func @transform_2(%arg0: i32) -> (i32, i32) {
    %c0_i32 = arith.constant 0 : i32
    %c0_i32_0 = arith.constant 0 : i32
    %c0_i32_1 = arith.constant 0 : i32
    return %c0_i32, %c0_i32_0 : i32, i32
  }
  func.func @transform_3(%arg0: i32) -> (i32, i32) {
    %c0_i32 = arith.constant 0 : i32
    %c0_i32_0 = arith.constant 0 : i32
    %c0_i32_1 = arith.constant 0 : i32
    return %c0_i32, %c0_i32_0 : i32, i32
  }
  func.func @transform_4(%arg0: i32) -> (i32, i32) {
    %c0_i32 = arith.constant 0 : i32
    %c0_i32_0 = arith.constant 0 : i32
    %c0_i32_1 = arith.constant 0 : i32
    return %c0_i32, %c0_i32_0 : i32, i32
  }
  func.func @transform_5(%arg0: i32) -> (i32, i32) {
    %c0_i32 = arith.constant 0 : i32
    %c0_i32_0 = arith.constant 0 : i32
    return %arg0, %c0_i32 : i32, i32
  }
  func.func @transform_6(%arg0: i32) -> (i32, i32) {
    %c0_i32 = arith.constant 0 : i32
    %c0_i32_0 = arith.constant 0 : i32
    %c0_i32_1 = arith.constant 0 : i32
    return %c0_i32, %c0_i32_0 : i32, i32
  }
  func.func @transform_7(%arg0: i32) -> (i32, i32) {
    %c0_i32 = arith.constant 0 : i32
    %c0_i32_0 = arith.constant 0 : i32
    %c0_i32_1 = arith.constant 0 : i32
    return %c0_i32, %c0_i32_0 : i32, i32
  }
}

module attributes {stable_mosaic.version = 14 : i64} {
  func.func @_stage_stats_body(%arg0: i32, %arg1: memref<512x128xf32, #tpu.memory_space<vmem>>, %arg2: memref<128x128xf32, #tpu.memory_space<vmem>>, %arg3: memref<1x128xf32, #tpu.memory_space<vmem>>, %arg4: memref<1x128xf32, #tpu.memory_space<vmem>>, %arg5: memref<1x128xf32, #tpu.memory_space<vmem>>, %arg6: memref<512x128xf32, #tpu.memory_space<vmem>>, %arg7: memref<1x128xf32, #tpu.memory_space<vmem>>, %arg8: memref<1x128xf32, #tpu.memory_space<vmem>>) attributes {dimension_semantics = [#tpu.dimension_semantics<arbitrary>], iteration_bounds = array<i64: 256>, scalar_prefetch = 0 : i64, scratch_operands = 0 : i64, tpu.core_type = #tpu.core_type<tc>, window_params = [{transform_indices = @transform_0, window_bounds = array<i64: 512, 128>}, {pipeline_mode = #tpu.pipeline_mode<synchronous>, transform_indices = @transform_1, window_bounds = array<i64: 128, 128>}, {pipeline_mode = #tpu.pipeline_mode<synchronous>, transform_indices = @transform_2, window_bounds = array<i64: 1, 128>}, {pipeline_mode = #tpu.pipeline_mode<synchronous>, transform_indices = @transform_3, window_bounds = array<i64: 1, 128>}, {pipeline_mode = #tpu.pipeline_mode<synchronous>, transform_indices = @transform_4, window_bounds = array<i64: 1, 128>}, {transform_indices = @transform_5, window_bounds = array<i64: 512, 128>}, {pipeline_mode = #tpu.pipeline_mode<synchronous>, transform_indices = @transform_6, window_bounds = array<i64: 1, 128>}, {pipeline_mode = #tpu.pipeline_mode<synchronous>, transform_indices = @transform_7, window_bounds = array<i64: 1, 128>}]} {
    %get3A = arith.constant 0 : index
    %get3A_0 = arith.constant 0 : index
    %get3A_1 = vector.load %arg1[%get3A, %get3A_0] : memref<512x128xf32, #tpu.memory_space<vmem>>, vector<512x128xf32>
    %get3A_2 = arith.constant 0 : index
    %get3A_3 = arith.constant 0 : index
    %get3A_4 = vector.load %arg4[%get3A_2, %get3A_3] : memref<1x128xf32, #tpu.memory_space<vmem>>, vector<1x128xf32>
    %mul3A = vector.broadcast %get3A_4 : vector<1x128xf32> to vector<512x128xf32>
    %mul3A_5 = arith.mulf %get3A_1, %mul3A : vector<512x128xf32>
    %get3A_6 = arith.constant 0 : index
    %get3A_7 = arith.constant 0 : index
    %get3A_8 = vector.load %arg5[%get3A_6, %get3A_7] : memref<1x128xf32, #tpu.memory_space<vmem>>, vector<1x128xf32>
    %add3A = vector.broadcast %get3A_8 : vector<1x128xf32> to vector<512x128xf32>
    %add3A_9 = arith.addf %mul3A_5, %add3A : vector<512x128xf32>
    %max3A = arith.constant 0.000000e+00 : f32
    %max3A_10 = vector.broadcast %max3A : f32 to vector<512x128xf32>
    %max3A_11 = arith.maximumf %add3A_9, %max3A_10 : vector<512x128xf32>
    %get3A_12 = arith.constant 0 : index
    %get3A_13 = arith.constant 0 : index
    %get3A_14 = vector.load %arg2[%get3A_12, %get3A_13] : memref<128x128xf32, #tpu.memory_space<vmem>>, vector<128x128xf32>
    %dot_general3A = arith.constant dense<0.000000e+00> : vector<512x128xf32>
    %dot_general3A_15 = tpu.matmul %max3A_11, %get3A_14, %dot_general3A {dimension_numbers = #tpu.dot_dimension_numbers<[1], [0], [0], [1], [0, 0, 1, 1], [], []>, transpose_lhs_hint = false} : vector<512x128xf32>, vector<128x128xf32>, vector<512x128xf32> -> vector<512x128xf32>
    %get3A_16 = arith.constant 0 : index
    %get3A_17 = arith.constant 0 : index
    %get3A_18 = vector.load %arg3[%get3A_16, %get3A_17] : memref<1x128xf32, #tpu.memory_space<vmem>>, vector<1x128xf32>
    %add3A_19 = vector.broadcast %get3A_18 : vector<1x128xf32> to vector<512x128xf32>
    %add3A_20 = arith.addf %dot_general3A_15, %add3A_19 : vector<512x128xf32>
    %swap3A = arith.constant 0 : index
    %swap3A_21 = arith.constant 0 : index
    %swap3A_22 = vector.load %arg6[%swap3A, %swap3A_21] : memref<512x128xf32, #tpu.memory_space<vmem>>, vector<512x128xf32>
    tpu.vector_store %arg6[%swap3A, %swap3A_21], %add3A_20 {strides = array<i32>} : memref<512x128xf32, #tpu.memory_space<vmem>>, vector<512x128xf32>,
    %eq3A = arith.constant 0 : i32
    %eq3A_23 = arith.cmpi eq, %arg0, %eq3A : i32
    %convert_element_type3A = arith.extui %eq3A_23 : i1 to i32
    %cond3A = arith.constant 0 : i32
    %cond3A_24 = arith.cmpi ne, %convert_element_type3A, %cond3A : i32
    scf.if %cond3A_24 {
      %broadcast_in_dim3A_44 = arith.constant 0.000000e+00 : f32
      %broadcast_in_dim3A_45 = vector.broadcast %broadcast_in_dim3A_44 : f32 to vector<1x128xf32>
      %swap3A_46 = arith.constant 0 : index
      %swap3A_47 = arith.constant 0 : index
      %swap3A_48 = vector.load %arg7[%swap3A_46, %swap3A_47] : memref<1x128xf32, #tpu.memory_space<vmem>>, vector<1x128xf32>
      tpu.vector_store %arg7[%swap3A_46, %swap3A_47], %broadcast_in_dim3A_45 {strides = array<i32>} : memref<1x128xf32, #tpu.memory_space<vmem>>, vector<1x128xf32>,
      %broadcast_in_dim3A_49 = arith.constant 0.000000e+00 : f32
      %broadcast_in_dim3A_50 = vector.broadcast %broadcast_in_dim3A_49 : f32 to vector<1x128xf32>
      %swap3A_51 = arith.constant 0 : index
      %swap3A_52 = arith.constant 0 : index
      %swap3A_53 = vector.load %arg8[%swap3A_51, %swap3A_52] : memref<1x128xf32, #tpu.memory_space<vmem>>, vector<1x128xf32>
      tpu.vector_store %arg8[%swap3A_51, %swap3A_52], %broadcast_in_dim3A_50 {strides = array<i32>} : memref<1x128xf32, #tpu.memory_space<vmem>>, vector<1x128xf32>,
    } else {
    }
    %get3A_25 = arith.constant 0 : index
    %get3A_26 = arith.constant 0 : index
    %get3A_27 = vector.load %arg7[%get3A_25, %get3A_26] : memref<1x128xf32, #tpu.memory_space<vmem>>, vector<1x128xf32>
    %reduce_sum3A = arith.constant dense<0.000000e+00> : vector<128xf32>
    %reduce_sum3A_28 = vector.multi_reduction <add>, %add3A_20, %reduce_sum3A [0] : vector<512x128xf32> to vector<128xf32>
    %broadcast_in_dim3A = vector.shape_cast %reduce_sum3A_28 : vector<128xf32> to vector<1x128xf32>
    %add3A_29 = arith.addf %get3A_27, %broadcast_in_dim3A : vector<1x128xf32>
    %swap3A_30 = arith.constant 0 : index
    %swap3A_31 = arith.constant 0 : index
    %swap3A_32 = vector.load %arg7[%swap3A_30, %swap3A_31] : memref<1x128xf32, #tpu.memory_space<vmem>>, vector<1x128xf32>
    tpu.vector_store %arg7[%swap3A_30, %swap3A_31], %add3A_29 {strides = array<i32>} : memref<1x128xf32, #tpu.memory_space<vmem>>, vector<1x128xf32>,
    %get3A_33 = arith.constant 0 : index
    %get3A_34 = arith.constant 0 : index
    %get3A_35 = vector.load %arg8[%get3A_33, %get3A_34] : memref<1x128xf32, #tpu.memory_space<vmem>>, vector<1x128xf32>
    %mul3A_36 = arith.mulf %add3A_20, %add3A_20 : vector<512x128xf32>
    %reduce_sum3A_37 = arith.constant dense<0.000000e+00> : vector<128xf32>
    %reduce_sum3A_38 = vector.multi_reduction <add>, %mul3A_36, %reduce_sum3A_37 [0] : vector<512x128xf32> to vector<128xf32>
    %broadcast_in_dim3A_39 = vector.shape_cast %reduce_sum3A_38 : vector<128xf32> to vector<1x128xf32>
    %add3A_40 = arith.addf %get3A_35, %broadcast_in_dim3A_39 : vector<1x128xf32>
    %swap3A_41 = arith.constant 0 : index
    %swap3A_42 = arith.constant 0 : index
    %swap3A_43 = vector.load %arg8[%swap3A_41, %swap3A_42] : memref<1x128xf32, #tpu.memory_space<vmem>>, vector<1x128xf32>
    tpu.vector_store %arg8[%swap3A_41, %swap3A_42], %add3A_40 {strides = array<i32>} : memref<1x128xf32, #tpu.memory_space<vmem>>, vector<1x128xf32>,
    return
  }
  func.func @transform_0(%arg0: i32) -> (i32, i32) {
    %c0_i32 = arith.constant 0 : i32
    %c0_i32_0 = arith.constant 0 : i32
    return %arg0, %c0_i32 : i32, i32
  }
  func.func @transform_1(%arg0: i32) -> (i32, i32) {
    %c0_i32 = arith.constant 0 : i32
    %c0_i32_0 = arith.constant 0 : i32
    %c0_i32_1 = arith.constant 0 : i32
    return %c0_i32, %c0_i32_0 : i32, i32
  }
  func.func @transform_2(%arg0: i32) -> (i32, i32) {
    %c0_i32 = arith.constant 0 : i32
    %c0_i32_0 = arith.constant 0 : i32
    %c0_i32_1 = arith.constant 0 : i32
    return %c0_i32, %c0_i32_0 : i32, i32
  }
  func.func @transform_3(%arg0: i32) -> (i32, i32) {
    %c0_i32 = arith.constant 0 : i32
    %c0_i32_0 = arith.constant 0 : i32
    %c0_i32_1 = arith.constant 0 : i32
    return %c0_i32, %c0_i32_0 : i32, i32
  }
  func.func @transform_4(%arg0: i32) -> (i32, i32) {
    %c0_i32 = arith.constant 0 : i32
    %c0_i32_0 = arith.constant 0 : i32
    %c0_i32_1 = arith.constant 0 : i32
    return %c0_i32, %c0_i32_0 : i32, i32
  }
  func.func @transform_5(%arg0: i32) -> (i32, i32) {
    %c0_i32 = arith.constant 0 : i32
    %c0_i32_0 = arith.constant 0 : i32
    return %arg0, %c0_i32 : i32, i32
  }
  func.func @transform_6(%arg0: i32) -> (i32, i32) {
    %c0_i32 = arith.constant 0 : i32
    %c0_i32_0 = arith.constant 0 : i32
    %c0_i32_1 = arith.constant 0 : i32
    return %c0_i32, %c0_i32_0 : i32, i32
  }
  func.func @transform_7(%arg0: i32) -> (i32, i32) {
    %c0_i32 = arith.constant 0 : i32
    %c0_i32_0 = arith.constant 0 : i32
    %c0_i32_1 = arith.constant 0 : i32
    return %c0_i32, %c0_i32_0 : i32, i32
  }
}

module attributes {stable_mosaic.version = 14 : i64} {
  func.func @_stage_plain_body(%arg0: i32, %arg1: memref<512x128xf32, #tpu.memory_space<vmem>>, %arg2: memref<128x8xf32, #tpu.memory_space<vmem>>, %arg3: memref<1x8xf32, #tpu.memory_space<vmem>>, %arg4: memref<1x128xf32, #tpu.memory_space<vmem>>, %arg5: memref<1x128xf32, #tpu.memory_space<vmem>>, %arg6: memref<512x8xf32, #tpu.memory_space<vmem>>) attributes {dimension_semantics = [#tpu.dimension_semantics<arbitrary>], iteration_bounds = array<i64: 256>, scalar_prefetch = 0 : i64, scratch_operands = 0 : i64, tpu.core_type = #tpu.core_type<tc>, window_params = [{transform_indices = @transform_0, window_bounds = array<i64: 512, 128>}, {pipeline_mode = #tpu.pipeline_mode<synchronous>, transform_indices = @transform_1, window_bounds = array<i64: 128, 8>}, {pipeline_mode = #tpu.pipeline_mode<synchronous>, transform_indices = @transform_2, window_bounds = array<i64: 1, 8>}, {pipeline_mode = #tpu.pipeline_mode<synchronous>, transform_indices = @transform_3, window_bounds = array<i64: 1, 128>}, {pipeline_mode = #tpu.pipeline_mode<synchronous>, transform_indices = @transform_4, window_bounds = array<i64: 1, 128>}, {transform_indices = @transform_5, window_bounds = array<i64: 512, 8>}]} {
    %get3A = arith.constant 0 : index
    %get3A_0 = arith.constant 0 : index
    %get3A_1 = vector.load %arg1[%get3A, %get3A_0] : memref<512x128xf32, #tpu.memory_space<vmem>>, vector<512x128xf32>
    %get3A_2 = arith.constant 0 : index
    %get3A_3 = arith.constant 0 : index
    %get3A_4 = vector.load %arg4[%get3A_2, %get3A_3] : memref<1x128xf32, #tpu.memory_space<vmem>>, vector<1x128xf32>
    %mul3A = vector.broadcast %get3A_4 : vector<1x128xf32> to vector<512x128xf32>
    %mul3A_5 = arith.mulf %get3A_1, %mul3A : vector<512x128xf32>
    %get3A_6 = arith.constant 0 : index
    %get3A_7 = arith.constant 0 : index
    %get3A_8 = vector.load %arg5[%get3A_6, %get3A_7] : memref<1x128xf32, #tpu.memory_space<vmem>>, vector<1x128xf32>
    %add3A = vector.broadcast %get3A_8 : vector<1x128xf32> to vector<512x128xf32>
    %add3A_9 = arith.addf %mul3A_5, %add3A : vector<512x128xf32>
    %ge3A = arith.constant 0.000000e+00 : f32
    %ge3A_10 = vector.broadcast %ge3A : f32 to vector<512x128xf32>
    %ge3A_11 = arith.cmpf oge, %add3A_9, %ge3A_10 : vector<512x128xf32>
    %mul3A_12 = arith.constant 0.00999999977 : f32
    %mul3A_13 = vector.broadcast %mul3A_12 : f32 to vector<512x128xf32>
    %mul3A_14 = arith.mulf %mul3A_13, %add3A_9 : vector<512x128xf32>
    %select_n3A = arith.select %ge3A_11, %add3A_9, %mul3A_14 : vector<512x128xi1>, vector<512x128xf32>
    %get3A_15 = arith.constant 0 : index
    %get3A_16 = arith.constant 0 : index
    %get3A_17 = vector.load %arg2[%get3A_15, %get3A_16] : memref<128x8xf32, #tpu.memory_space<vmem>>, vector<128x8xf32>
    %dot_general3A = arith.constant dense<0.000000e+00> : vector<512x8xf32>
    %dot_general3A_18 = tpu.matmul %select_n3A, %get3A_17, %dot_general3A {dimension_numbers = #tpu.dot_dimension_numbers<[1], [0], [0], [1], [0, 0, 1, 1], [], []>, transpose_lhs_hint = false} : vector<512x128xf32>, vector<128x8xf32>, vector<512x8xf32> -> vector<512x8xf32>
    %get3A_19 = arith.constant 0 : index
    %get3A_20 = arith.constant 0 : index
    %get3A_21 = vector.load %arg3[%get3A_19, %get3A_20] : memref<1x8xf32, #tpu.memory_space<vmem>>, vector<1x8xf32>
    %add3A_22 = vector.broadcast %get3A_21 : vector<1x8xf32> to vector<512x8xf32>
    %add3A_23 = arith.addf %dot_general3A_18, %add3A_22 : vector<512x8xf32>
    %swap3A = arith.constant 0 : index
    %swap3A_24 = arith.constant 0 : index
    %swap3A_25 = vector.load %arg6[%swap3A, %swap3A_24] : memref<512x8xf32, #tpu.memory_space<vmem>>, vector<512x8xf32>
    tpu.vector_store %arg6[%swap3A, %swap3A_24], %add3A_23 {strides = array<i32>} : memref<512x8xf32, #tpu.memory_space<vmem>>, vector<512x8xf32>,
    return
  }
  func.func @transform_0(%arg0: i32) -> (i32, i32) {
    %c0_i32 = arith.constant 0 : i32
    %c0_i32_0 = arith.constant 0 : i32
    return %arg0, %c0_i32 : i32, i32
  }
  func.func @transform_1(%arg0: i32) -> (i32, i32) {
    %c0_i32 = arith.constant 0 : i32
    %c0_i32_0 = arith.constant 0 : i32
    %c0_i32_1 = arith.constant 0 : i32
    return %c0_i32, %c0_i32_0 : i32, i32
  }
  func.func @transform_2(%arg0: i32) -> (i32, i32) {
    %c0_i32 = arith.constant 0 : i32
    %c0_i32_0 = arith.constant 0 : i32
    %c0_i32_1 = arith.constant 0 : i32
    return %c0_i32, %c0_i32_0 : i32, i32
  }
  func.func @transform_3(%arg0: i32) -> (i32, i32) {
    %c0_i32 = arith.constant 0 : i32
    %c0_i32_0 = arith.constant 0 : i32
    %c0_i32_1 = arith.constant 0 : i32
    return %c0_i32, %c0_i32_0 : i32, i32
  }
  func.func @transform_4(%arg0: i32) -> (i32, i32) {
    %c0_i32 = arith.constant 0 : i32
    %c0_i32_0 = arith.constant 0 : i32
    %c0_i32_1 = arith.constant 0 : i32
    return %c0_i32, %c0_i32_0 : i32, i32
  }
  func.func @transform_5(%arg0: i32) -> (i32, i32) {
    %c0_i32 = arith.constant 0 : i32
    %c0_i32_0 = arith.constant 0 : i32
    return %arg0, %c0_i32 : i32, i32
  }
}

</mosaic_0001>

<sc_bundles>
// kernel: gather_offload_async_start.1
scs
__scs_entry_jumppad:
0x0: {  	(pc) =	sbr.rel $0x88, $3  }
0x1: {  	(tag) =	ssettag $0x0;
	lr =	simm.s32 $0x1  }
0x2: {  	[smem:$0x3F6E] =	sst lr;
	_ =	strace $0xD0000000  }
0x3: {  	_ = 	snop  }
0x4: {  	_ = 	snop  }
0x5: {  	_ = 	snop  }
0x6: {  	_ = 	snop  }
0x7: {  	_ = 	snop  }
__scs_overlays_trampoline_lowered:
0x8: {  	[smem:$0x3F7D] =	sst s0  }
0x9: {  	[smem:$0x3F7E] =	sst s1  }
0xa: {  	[smem:$0x3F7F] =	sst s2  }
0xb: {  	[smem:$0x3F80] =	sst s3  }
0xc: {  	[smem:$0x3F81] =	sst s4  }
0xd: {  	[smem:$0x3F82] =	sst s5  }
0xe: {  	[smem:$0x3F83] =	sst s6  }
0xf: {  	[smem:$0x3F84] =	sst s7  }
0x10: {  	[smem:$0x3F85] =	sst s8  }
0x11: {  	[smem:$0x3F86] =	sst s9;
	s0 =	simm.s32 @!p0 $0x0  }
0x12: {  	s1 =	sld [smem:$0x3F6C];
	s0 =	simm.s32 @p0 $0x1  }
0x13: {  	[smem:$0x3F87] =	sst s0;
	s0 =	simm.s32 @!p1 $0x0  }
0x14: {  	s2 =	sld [smem:$0x3F6B];
	s0 =	simm.s32 @p1 $0x1  }
0x15: {  	[smem:$0x3F88] =	sst s0;
	s0 =	simm.s32 @!p2 $0x0  }
0x16: {  	s3 =	sld [smem:$0x3FDB];
	s0 =	simm.s32 @p2 $0x1  }
0x17: {  	s4 =	simm.s32 $0x1BF5;
	[smem:$0x3F8A] =	sst s0  }
0x18: {  	s0 =	sld [smem:$0x3F6D];
	_ =	swait.ge [sflag:s4], $0x0  }
0x19: {  	s7 =	sld [smem:$0x3F6E]  }
0x1a: {  	s8 =	sadd.s32 $0xFFFFE003, lr  }
0x1b: {  	s9 =	sadd.s32 $0xFFFFFEF7, lr;
	s5 =	simm.s32 $0xFFFFFFFF;
	p2 =	slt.u32 s8, $0xFFFFF086  }
0x1c: {  	p1 =	slt.u32 s9, $0xF7A;
	s5 =	simm.s32 @!p2 $0x0  }
0x1d: {  	s5 =	simm.s32 @p1 $0x1;
	p0 =	seq.s32 s7, s2  }
0x1e: {  	s7 =	smul.u32 @!p0 $0xF7A, s2;
	p2 =	seq.s32 @!p0 s5, $0x0  }
0x1f: {  	s9 =	smul.u32 $0xF7A, s1;
	s8 =	simm.s32 @!p0 $0x1BF5;
	p2 =	por !p2, p0  }
0x20: {  	[sflag:s8] =	ssyncset.s32 @!p0 $0xFFFFF086;
	s6 =	sadd.s32 @!p0 s3, s7;
	s7 =	simm.s32 @!p0 $0x108  }
0x21: {  	s3 =	sadd.s32 s3, s9;
	s6 =	sadd.s32 @!p0 $0x88, s6;
	s7 =	simm.s32 @p2 $0x1082  }
0x22: {  	[simem:s7], [sflag:s8] =	dma.local @!p0 [hbm:s6], $0xF7A  }
0x23: {  	s9 =	sor.u32 $0xD0000000, s2;
	s6 =	simm.s32 $0x108;
	_ =	swait.ge @!p0 [sflag:s8], $0x0  }
0x24: {  	s3 =	sadd.s32 $0x88, s3;
	s6 =	simm.s32 @!p1 $0x1082;
	[sflag:s4] =	ssyncset.s32 $0xFFFFF086  }
0x25: {  	[simem:s6], [sflag:s4] =	dma.local [hbm:s3], $0xF7A  }
0x26: {  	[smem:$0x3F6E] =	sst s1;
	(tag) =	ssettag s2;
	_ =	strace s9  }
0x27: {  	s1 =	sld [smem:$0x3F7E]  }
0x28: {  	s2 =	sld [smem:$0x3F7F]  }
0x29: {  	s4 =	sld [smem:$0x3F81]  }
0x2a: {  	p0 =	seq.s32 s5, $0x0;
	s5 =	sld [smem:$0x3F82]  }
0x2b: {  	s6 =	sld [smem:$0x3F83]  }
0x2c: {  	s7 =	sld [smem:$0x3F84]  }
0x2d: {  	s3 =	simm.s32 $0x108;
	s8 =	sld [smem:$0x3F85]  }
0x2e: {  	s3 =	simm.s32 @!p0 $0x1082;
	s9 =	sld [smem:$0x3F86]  }
0x2f: {  	lr =	sadd.s32 s0, s3;
	s0 =	sld [smem:$0x3F7D]  }
0x30: {  	s3 =	sld [smem:$0x3F80]  }
0x31: {  	[smem:$0x3F89] =	sst s10  }
0x32: {  	s10 =	sld [smem:$0x3F87];
	_ =	sdelay $0x3  }
0x33: {  	p0 =	seq.s32 s10, $0x1;
	s10 =	sld [smem:$0x3F89];
	_ =	sdelay $0x3  }
0x34: {  	[smem:$0x3F89] =	sst s10  }
0x35: {  	s10 =	sld [smem:$0x3F88];
	_ =	sdelay $0x3  }
0x36: {  	p1 =	seq.s32 s10, $0x1;
	s10 =	sld [smem:$0x3F89];
	_ =	sdelay $0x3  }
0x37: {  	[smem:$0x3F89] =	sst s10  }
0x38: {  	s10 =	sld [smem:$0x3F8A]  }
0x39: {  	_ = 	snop;
	(pc) =	sbr.ind lr, $3  }
0x3a: {  	_ = 	snop  }
0x3b: {  	_ = 	snop  }
0x3c: {  	p2 =	seq.s32 s10, $0x1;
	s10 =	sld [smem:$0x3F89]  }
0x3d: {  	_ =	shalt  }
0x3e: {  	_ =	shalt  }
0x3f: {  	_ =	shalt  }
0x40: {  	_ =	shalt  }
0x41: {  	_ =	shalt  }
0x42: {  	_ =	shalt  }
0x43: {  	_ =	shalt  }
0x44: {  	_ =	shalt  }
0x45: {  	_ =	shalt  }
0x46: {  	_ =	shalt  }
0x47: {  	_ =	shalt  }
0x48: {  	_ =	shalt  }
0x49: {  	_ =	shalt  }
0x4a: {  	_ =	shalt  }
0x4b: {  	_ =	shalt  }
0x4c: {  	_ =	shalt  }
0x4d: {  	_ =	shalt  }
0x4e: {  	_ =	shalt  }
0x4f: {  	_ =	shalt  }
0x50: {  	_ =	shalt  }
0x51: {  	_ =	shalt  }
0x52: {  	_ =	shalt  }
0x53: {  	_ =	shalt  }
0x54: {  	_ =	shalt  }
0x55: {  	_ =	shalt  }
0x56: {  	_ =	shalt  }
0x57: {  	_ =	shalt  }
0x58: {  	_ =	shalt  }
0x59: {  	_ =	shalt  }
0x5a: {  	_ =	shalt  }
0x5b: {  	_ =	shalt  }
0x5c: {  	_ =	shalt  }
0x5d: {  	_ =	shalt  }
0x5e: {  	_ =	shalt  }
0x5f: {  	_ =	shalt  }
0x60: {  	_ =	shalt  }
0x61: {  	_ =	shalt  }
0x62: {  	_ =	shalt  }
0x63: {  	_ =	shalt  }
0x64: {  	_ =	shalt  }
0x65: {  	_ =	shalt  }
0x66: {  	_ =	shalt  }
0x67: {  	_ =	shalt  }
0x68: {  	_ =	shalt  }
0x69: {  	_ =	shalt  }
0x6a: {  	_ =	shalt  }
0x6b: {  	_ =	shalt  }
0x6c: {  	_ =	shalt  }
0x6d: {  	_ =	shalt  }
0x6e: {  	_ =	shalt  }
0x6f: {  	_ =	shalt  }
0x70: {  	_ =	shalt  }
0x71: {  	_ =	shalt  }
0x72: {  	_ =	shalt  }
0x73: {  	_ =	shalt  }
0x74: {  	_ =	shalt  }
0x75: {  	_ =	shalt  }
0x76: {  	_ =	shalt  }
0x77: {  	_ =	shalt  }
0x78: {  	_ =	shalt  }
0x79: {  	_ =	shalt  }
0x7a: {  	_ =	shalt  }
0x7b: {  	_ =	shalt  }
0x7c: {  	_ =	shalt  }
0x7d: {  	_ =	shalt  }
0x7e: {  	_ =	shalt  }
0x7f: {  	_ =	shalt  }
0x80: {  	_ =	shalt  }
0x81: {  	_ =	shalt  }
0x82: {  	_ =	shalt  }
0x83: {  	_ =	shalt  }
0x84: {  	_ =	shalt  }
0x85: {  	_ =	shalt  }
0x86: {  	_ =	shalt  }
0x87: {  	_ =	shalt  }
.Lfunc_end0:
.L_simem_size_0:
called_computation.2_lowered:
.L_overlay_start_0:
0x88: {  	s2 =	sld [smem:$0x3FD9]  }
0x89: {  	s3 =	sld [smem:$0x3FFE];
	_ =	sdelay $0x1  }
0x8a: {  	s1 =	srdreg.scid  }
0x8b: {  	s0 =	sand.u32 $0x1, s1  }
0x8c: {  	s17 =	sshll.u32 s0, $0xA;
	s2 =	sadd.s32 s3, s2  }
0x8d: {  	s2 =	sadd.s32 s2, s17  }
0x8e: {  	[smem:$0x3F95] =	sst s2  }
0x8f: {  	_ = 	snop  }
0x90: {  	(tm) =	ssettm $0x1  }
0x91: {  	s18 =	sld [smem:$0x3FFB];
	_ =	sdelay $0x3  }
0x92: {  	_ =	strace s18  }
0x93: {  	s2 =	sld [smem:$0x3FFC];
	_ =	sdelay $0x3  }
0x94: {  	_ =	strace s2  }
0x95: {  	s2 =	sld [smem:$0x3FFD];
	_ =	sdelay $0x3  }
0x96: {  	_ =	strace s2  }
0x97: {  	_ =	strace $0x8FFFFFFF  }
0x98: {  	s19 =	sld [smem:$0x3FDB];
	_ =	sdelay $0x1  }
0x99: {  	s20 =	simm.s32 $_scs_section_size  }
0x9a: {  	s4 =	simm.s32 $_size__tile_overlayer_lowered;
	s5 =	simm.s32 $_tile_overlayer_lowered  }
0x9b: {  	s6 =	simm.s32 $0x1BFF;
	s21 =	sshll.u32 s5, $0x1;
	s3 =	sadd.s32 s20, s19  }
0x9c: {  	s22 =	simm.s32 $0x0;
	s4 =	sshll.u32 s4, $0x1;
	s5 =	sadd.s32 s21, s3  }
0x9d: {  	[timem:s22], [sflag:s6] =	dma.local [hbm:s5], s4  }
0x9e: {  	_ =	swait.ge [sflag:s6], s4  }
0x9f: {  	s4 =	ssub.s32 $0x0, s4;
	[sflag:s6] =	ssyncset.done $0x0  }
0xa0: {  	[sflag:s6] =	ssyncadd.s32 s4;
	_ =	sdelay $0x1  }
0xa1: {  	s23 =	simm.s32 $0x1B8B  }
0xa2: {  	_ =	swait.ge [sflag:s23], $0x1  }
0xa3: {  	[sflag:s23] =	ssyncset.done $0x0  }
0xa4: {  	[sflag:s23] =	ssyncadd.s32 $0xFFFFFFFF  }
0xa5: {  	s4 =	sld [smem:$0x0]  }
0xa6: {  	s5 =	sand.u32 $0xFFFFFFFE, s1  }
0xa7: {  	p0 =	sne.s32 s1, s5  }
0xa8: {  	s5 =	sshll.u32 @p0 s5, $0xE  }
0xa9: {  	s5 =	sadd.s32 @p0 $0x11B8D, s5;
	s6 =	sshll.u32 @p0 s4, $0x11  }
0xaa: {  	s5 =	sor.u32 @p0 s6, s5  }
0xab: {  	[sflag:s5] =	ssyncadd.remote.s32 @p0 $0x1;
	_ =	sdelay $0x1  }
0xac: {  	s5 =	simm.s32 @p0 $0x1B8D  }
0xad: {  	_ =	swait.eq @p0 [sflag:s5], $0x1  }
0xae: {  	[sflag:s5] =	ssyncadd.s32 @p0 $0xFFFFFFFF  }
0xaf: {  	s6 =	sshll.u32 @!p0 s1, $0xE  }
0xb0: {  	s6 =	sor.u32 @!p0 $0x4000, s6;
	s5 =	simm.s32 @!p0 $0x1B8D  }
0xb1: {  	s4 =	sshll.u32 @!p0 s4, $0x11;
	s6 =	sadd.s32 @!p0 $0x11B8D, s6;
	_ =	swait.eq @!p0 [sflag:s5], $0x1  }
0xb2: {  	s4 =	sor.u32 @!p0 s4, s6;
	[sflag:s5] =	ssyncadd.s32 @!p0 $0xFFFFFFFF  }
0xb3: {  	s25 =	simm.s32 $0x1B8E;
	s24 =	sld [smem:$0x3FFE];
	[sflag:s4] =	ssyncadd.remote.s32 @!p0 $0x1  }
0xb4: {  	s26 =	simm.s32 $execute0_lowered;
	[smem:$0x3FD2] =	sst s25  }
0xb5: {  	s5 =	sshll.u32 s26, $0x1;
	_ =	strace $0x80000049;
	[dreg:$0x1] =	wrdreg $0xFFFFFFFF  }
0xb6: {  	s28 =	simm.s32 $_size_execute0_lowered;
	s3 =	sadd.s32 s3, s5;
	[dreg:$0x0] =	wrdreg $0x0  }
0xb7: {  	s5 =	sshll.u32 s28, $0x1;
	[dreg:$0x2] =	wrdreg s3  }
0xb8: {  	[dreg:$0x3] =	wrdreg s5  }
0xb9: {  	[dreg:$0x4] =	wrdreg $0xC0  }
0xba: {  	_ =	task [dreg:s22], $0x5FFFF  }
0xbb: {  	[dreg:$0x1] =	wrdreg $0xFFFFFFFF  }
0xbc: {  	[dreg:$0x0] =	wrdreg $0x60  }
0xbd: {  	[dreg:$0x2] =	wrdreg s24  }
0xbe: {  	[dreg:$0x3] =	wrdreg $0xA  }
0xbf: {  	_ =	task.clear_ibuf [dreg:s22], $0x4FFFF;
	_ =	strace $0x90000049  }
0xc0: {  	s29 =	simm.s32 $0xA;
	_ =	strace $0x8000004B  }
0xc1: {  	_ =	swait.ge [sflag:s29], $0x1  }
0xc2: {  	[sflag:s29] =	ssyncadd.s32 $0xFFFFFFFF  }
0xc3: {  	_ =	strace $0x9000004B  }
0xc4: {  	_ =	sfence  }
0xc5: {  	s30 =	sld [smem:$0x0];
	_ =	sdelay $0x2  }
0xc6: {  	s31 =	sshll.u32 s1, $0xD;
	s1 =	sshrl.u32 s1, $0x2  }
0xc7: {  	s4 =	sand.u32 $0x4000, s31;
	s1 =	sadd.s32 s1, s30  }
0xc8: {  	s0 =	sor.u32 s4, s0;
	s1 =	sshll.u32 s1, $0x11  }
0xc9: {  	s0 =	sor.u32 s1, s0  }
0xca: {  	s0 =	sadd.s32 $0x8F2B, s0  }
0xcb: {  	[sflag:s0] =	ssyncadd.remote.s32 $0x1  }
0xcc: {  	_ =	sfence.sel $0xFFFF  }
0xcd: {  	[dreg:$0x0] =	wrdreg $0xFFFFFFFF;
	(pc) =	sbr.abs _section_cstart, $3  }
0xce: {  	[dreg:$0x1] =	wrdreg $0xFFFFFFFF  }
0xcf: {  	_ =	task.clear_ibuf [dreg:s22], $0x2FFFF;
	_ =	strace $0x9FFFFFFF  }
0xd0: {  	(tm) =	ssettm $0x7FFFFFFF  }
0xd1: {  	_ =	shalt  }
tec
execute0_lowered:
.L_overlay_start_1:
0x0: {  	(tag) =	ssettag $0x1  }
0x1: {  	s0 =	srdreg.scid;
	s5 =	rddreg [dreg:$0x0]  }
0x2: {  	s1 =	stileid.u32;
	s6 =	simm.s32 $0x1;
	s9 =	simm.s32 $0x1  }
0x3: {  	s10 =	simm.s32 $0x3;
	s13 =	simm.s32 $0x0;
	s2 =	sshll.u32 s0, $0x7  }
0x4: {  	s12 =	simm.s32 $0x0;
	s3 =	sshll.u32 s1, $0x8;
	s2 =	sand.u32 $0x80, s2  }
0x5: {  	s0 =	rddreg [dreg:$0x1];
	_ =	strace $0x8000004A;
	s2 =	sor.u32 s3, s2  }
0x6: {  	s4 =	sadd.s32 $0x11C00, s5;
	[sflag:s6] =	ssyncpa.u1 $0x0;
	s8 =	ssub.s32 $0x1800, s2  }
.Ltmp0:
0x7: {  	s3 =	sadd.s32 $0xD800, s5;
	s7 =	sand.u32 $0xF80, s8;
	(pc) =	sbr.rel .LBB2_1-.Ltmp0, $4  }
0x8: {  	s5 =	sadd.s32 $0x12000, s5;
	s11 =	smov.u32 s2;
	p0 =	sne.s32 s7, $0x0  }
0x9: {  	s8 =	sshrl.u32 s8, $0xC;
	s7 =	simm.s32 $0x2;
	s9 =	simm.s32 @!p0 $0x0  }
0xa: {  	[sflag:s7] =	ssyncpa.u1 $0x0;
	p0 =	por $0x0, $0x0;
	s8 =	sadd.s32 s9, s8  }
0xb: {  	vm0 =	vmmov $0xffff;
	[sflag:s10] =	ssyncpa.u1 $0x0;
	s10 =	simm.s32 $0x0;
	s9 =	sadd.s32 $0x1, s8  }
.LBB2_4:
0xc: {  	vm1 =	veq.s32 v3, $0x80000000;
	v52 =	vshrl.u32 v3, $0x4  }
0xd: {  	v5 =	vor.u32 v6, v5;
	v4 =	vand.u32 $0x1E000, v4;
	v55 =	vshll.u32 v1, $0xD  }
0xe: {  	v56 =	vshrl.u32 v1, $0x4;
	v53 =	vand.u32 $0x7F, v52;
	v3 =	vand.u32 $0x1F80, v52  }
0xf: {  	v4 =	vsel vm1, $0xFFFFE000, v4;
	v2 =	vor.u32 v2, v5;
	v3 =	vsel vm1, $0xFFFFFF80, v3  }
0x10: {  	v58 =	vand.u32 $0x1F80, v56;
	v6 =	vsel vm1, $0xFFFFFFFF, v53;
	v7 =	vand.u32 $0xFFFFFC00, v3  }
0x11: {  	v59 =	vand.u32 $0x7F, v56;
	v54 =	vand.u32 $0xFFFFFC00, v6;
	v4 =	vadd.s32 v4, v7  }
0x12: {  	vm1 =	veq.s32 v1, $0x80000000;
	v3 =	vand.u32 $0x380, v3;
	v4 =	vadd.s32 v54, v4  }
0x13: {  	v60 =	vand.u32 $0x1E000, v55;
	v57 =	vor.u32 v3, v4;
	v3 =	vsel vm1, $0xFFFFFF80, v58  }
0x14: {  	v5 =	vsel vm1, $0xFFFFE000, v60;
	v4 =	vsel vm1, $0xFFFFFFFF, v59;
	v61 =	vand.u32 $0xFFFFFC00, v3  }
0x15: {  	v6 =	vand.u32 $0x7F, v6;
	v62 =	vand.u32 $0xFFFFFC00, v4;
	v5 =	vadd.s32 v5, v61  }
0x16: {  	v1 =	vor.u32 v6, v57;
	v3 =	vand.u32 $0x380, v3;
	v5 =	vadd.s32 v62, v5  }
0x17: {  	[tilespmem:s16], [sflag:$0x1] =	stream.indirect_vreg.gather [hbm4b:s3+s10], $0x1, v0, vm0, $0x4038;
	v63 =	vand.u32 $0x7F, v4;
	v3 =	vor.u32 v3, v5;
	[tilespmem:$0x200] =	vst v63  }
0x18: {  	s15 =	sadd.s32 $0x10, s15;
	(ifvalue) =	ssetifvalue $0x7FFFFFFF;
	v0 =	vor.u32 v63, v3  }
0x19: {  	[tilespmem:s15], [sflag:$0x1] =	stream.indirect_vreg.gather [hbm4b:s3+s10], $0x1, v2, vm0, $0x4038;
	[tilespmem:$0x200] =	vst v63  }
0x1a: {  	s15 =	sadd.s32 $0x10, s15;
	(ifvalue) =	ssetifvalue $0x7FFFFFFF  }
0x1b: {  	[tilespmem:s15], [sflag:$0x1] =	stream.indirect_vreg.gather [hbm4b:s3+s10], $0x1, v1, vm0, $0x4038;
	[tilespmem:$0x200] =	vst v63  }
0x1c: {  	s15 =	sadd.s32 $0x10, s15;
	(ifvalue) =	ssetifvalue $0x7FFFFFFF  }
0x1d: {  	[tilespmem:s15], [sflag:$0x1] =	stream.indirect_vreg.gather [hbm4b:s3+s10], $0x1, v0, vm0, $0x4038;
	[tilespmem:$0x200] =	vst v63  }
0x1e: {  	_ =	swait.ge [sflag:s6], $0x80  }
0x1f: {  	s30 =	sshrl.u32 s13, $0x3;
	[sflag:s6] =	ssyncset.done $0x0  }
0x20: {  	s31 =	sand.u32 $0x7, s13;
	s15 =	sadd.s32 s5, s30;
	[sflag:s6] =	ssyncadd.s32 $0xFFFFFF80  }
0x21: {  	[hbm4b:s15+s31] =	stream.linear.scatter [tilespmem:s14], [sflag:$0x3], $0x80, $0x38;
	[tilespmem:$0x200] =	vst v63  }
.LBB2_5:
0x22: {  	s15 =	sadd.s32 $0x1000, s11  }
0x23: {  	p2 =	sgt.s32 s15, $0x17FF  }
0x24: {  	s15 =	smov.u32 @p2 s2;
	p2 =	sne.s32 s12, s9  }
.Ltmp1:
0x25: {  	p1 =	slt.u32 s12, $0x2;
	(pc) =	sbr.rel @!p2 .LBB2_6-.Ltmp1, $4  }
0x26: {  	s14 =	simm.s32 @!p1 $0x3  }
0x27: {  	s16 =	sadd.s32 $0x1, s12;
	_ =	swait.ge @!p1 [sflag:s14], $0x80  }
0x28: {  	s13 =	smov.u32 s11;
	p0 =	por !p0, !p0;
	[sflag:s14] =	ssyncset.done @!p1 $0x0  }
0x29: {  	s12 =	smov.u32 s16;
	s11 =	smov.u32 s15;
	[sflag:s14] =	ssyncadd.s32 @!p1 $0xFFFFFF80  }
.LBB2_1:
0x2a: {  	p1 =	sge.u32 s12, s8  }
0x2b: {  	s14 =	sxor.u32 @!p1 $0xFFFFFFFF, s12  }
0x2c: {  	s31 =	sadd.s32 $0xFFFFFFFF, s12;
	s15 =	sshrl.u32 @!p1 s11, $0x3;
	s14 =	sshll.u32 @!p1 s14, $0x7  }
0x2d: {  	s16 =	sand.u32 @!p1 $0x7, s11;
	s15 =	sadd.s32 @!p1 s4, s15;
	s14 =	sand.u32 @!p1 $0x80, s14  }
0x2e: {  	[tilespmem:s14], [sflag:$0x2] =	stream.linear.gather @!p1 [hbm4b:s15+s16], $0x80, $0x38;
	[tilespmem:$0x200] =	vst v63  }
0x2f: {  	p1 =	sge.u32 s31, s8  }
.Ltmp2:
0x30: {  	_ = 	snop;
	(pc) =	sbr.rel @p1 .LBB2_5-.Ltmp2, $1  }
0x31: {  	_ =	sdelay $0x3  }
0x32: {  	s14 =	simm.s32 $0x1  }
0x33: {  	_ =	swait.ge [sflag:s7], $0x80;
	s14 =	simm.s32 @!p0 $0x0  }
0x34: {  	[sflag:s7] =	ssyncset.done $0x0;
	s14 =	sshll.u32 s14, $0x7  }
0x35: {  	[sflag:s7] =	ssyncadd.s32 $0xFFFFFF80;
	(ifvalue) =	ssetifvalue $0x7FFFFFFF;
	v0 =	vld.msk [tilespmem:s14+$0x0 ss:$0x1], $0xffff;
	_ =	sdelay $0x1  }
0x36: {  	s15 =	sadd.s32 $0x10, s14  }
0x37: {  	v1 =	vld.msk [tilespmem:s15+$0x0 ss:$0x1], $0xffff;
	_ =	sdelay $0x1  }
0x38: {  	v2 =	vshrl.u32 v0, $0x4;
	v3 =	vshll.u32 v0, $0xD;
	vm1 =	veq.s32 v0, $0x80000000  }
0x39: {  	v0 =	vand.u32 $0x1F80, v2;
	v2 =	vand.u32 $0x7F, v2;
	v3 =	vand.u32 $0x1E000, v3  }
0x3a: {  	v0 =	vsel vm1, $0xFFFFFF80, v0;
	v2 =	vsel vm1, $0xFFFFFFFF, v2;
	v3 =	vsel vm1, $0xFFFFE000, v3  }
0x3b: {  	vm1 =	veq.s32 v1, $0x80000000;
	v4 =	vand.u32 $0xFFFFFC00, v0;
	v5 =	vand.u32 $0xFFFFFC00, v2  }
0x3c: {  	s15 =	sadd.s32 $0x10, s15;
	v2 =	vand.u32 $0x7F, v2;
	v0 =	vand.u32 $0x380, v0;
	v3 =	vadd.s32 v3, v4  }
0x3d: {  	v4 =	vshll.u32 v1, $0xD;
	v1 =	vshrl.u32 v1, $0x4;
	v5 =	vadd.s32 v5, v3;
	v3 =	vld.msk [tilespmem:s15+$0x0 ss:$0x1], $0xffff  }
0x3e: {  	v0 =	vor.u32 v0, v5;
	v5 =	vand.u32 $0x7F, v1;
	v1 =	vand.u32 $0x1F80, v1  }
0x3f: {  	v4 =	vand.u32 $0x1E000, v4;
	v5 =	vsel vm1, $0xFFFFFFFF, v5;
	v6 =	vsel vm1, $0xFFFFFF80, v1  }
0x40: {  	s16 =	sshll.u32 s12, $0x7;
	s18 =	simm.s32 $0x30;
	v1 =	vsel vm1, $0xFFFFE000, v4;
	v0 =	vor.u32 v2, v0;
	v4 =	vand.u32 $0xFFFFFC00, v6  }
0x41: {  	s31 =	sand.u32 $0x80, s16;
	s17 =	sadd.s32 $0x10, s15;
	s15 =	sor.u32 $0x100, s14;
	v7 =	vand.u32 $0xFFFFFC00, v5;
	v2 =	vand.u32 $0x7F, v5;
	v5 =	vadd.s32 v1, v4  }
0x42: {  	s14 =	sor.u32 $0x100, s31;
	s16 =	smov.u32 s15;
	v6 =	vand.u32 $0x380, v6;
	v1 =	vld.msk [tilespmem:s17+$0x0 ss:$0x1], $0xffff;
	(ifvalue) =	ssetifvalue $0x7FFFFFFF;
	v4 =	vshll.u32 v3, $0xD;
	v5 =	vadd.s32 v7, v5  }
.LBB2_3:
0x43: {  	s18 =	sadd.s32 $0x10, s18  }
0x44: {  	vm1 =	veq.s32 v3, $0x80000000;
	v3 =	vshrl.u32 v3, $0x4;
	v5 =	vor.u32 v6, v5;
	s15 =	sadd.s32 $0x10, s15;
	p1 =	slt.u32 s18, $0x70  }
.Ltmp3:
0x45: {  	v4 =	vand.u32 $0x1E000, v4;
	v6 =	vand.u32 $0x7F, v3;
	v3 =	vand.u32 $0x1F80, v3;
	(pc) =	sbr.rel @p1 .LBB2_3-.Ltmp3, $4  }
0x46: {  	v4 =	vsel vm1, $0xFFFFE000, v4;
	v6 =	vsel vm1, $0xFFFFFFFF, v6;
	v3 =	vsel vm1, $0xFFFFFF80, v3;
	[tilespmem:s16], [sflag:$0x1] =	stream.indirect_vreg.gather [hbm4b:s3+s10], $0x1, v0, vm0, $0x4038;
	[tilespmem:$0x200] =	vst v63  }
0x47: {  	v0 =	vor.u32 v2, v5;
	s16 =	smov.u32 s15;
	v7 =	vand.u32 $0xFFFFFC00, v3;
	v8 =	vand.u32 $0xFFFFFC00, v6  }
0x48: {  	s17 =	sadd.s32 $0x10, s17;
	v2 =	vand.u32 $0x7F, v6;
	v5 =	vadd.s32 v4, v7  }
0x49: {  	v6 =	vand.u32 $0x380, v3;
	v4 =	vshll.u32 v1, $0xD;
	v5 =	vadd.s32 v8, v5;
	(ifvalue) =	ssetifvalue $0x7FFFFFFF;
	v3 =	vmovc v1;
	v1 =	vld.msk [tilespmem:s17+$0x0 ss:$0x1], $0xffff  }
.Ltmp4:
0x4a: {  	_ = 	snop;
	(pc) =	sbr.rel .LBB2_4-.Ltmp4, $1  }
0x4b: {  	_ =	sdelay $0x3  }
.LBB2_6:
0x4c: {  	_ =	sfence.sel $0x180000  }
0x4d: {  	s2 =	simm.s32 $0x2;
	[bflag:$0x0] =	sbarrier.arrive $0xFFFF  }
0x4e: {  	s30 =	simm.s32 $0x3;
	[sflag:s2] =	ssyncpa.u1 $0x1  }
0x4f: {  	s31 =	simm.s32 $0x1;
	[sflag:s30] =	ssyncpa.u1 $0x1  }
0x50: {  	[sflag:s31] =	ssyncpa.u1 $0x1  }
0x51: {  	p0 =	sne.s32 s1, $0x0;
	_ =	strace $0x9000004A  }
0x52: {  	s0 =	sadd.s32 @!p0 $0x100000, s0;
	[bflag:$0x2] =	sbarrier.arrive $0xFFFF  }
0x53: {  	[sflag:s0] =	ssyncadd.tile.s32 @!p0 $0x1;
	_ =	shalt  }
.Lfunc_end2:
_tile_overlayer_lowered:
.L_overlay_start_2:
0x54: {  	(tag) =	ssettag $0x2  }
0x55: {  	s0 =	rddreg [dreg:$0x0];
	s2 =	stileid.u32  }
0x56: {  	s1 =	rddreg [dreg:$0x1];
	p0 =	sne.s32 s2, $0x0  }
0x57: {  	s3 =	rddreg [dreg:$0x2];
	[bflag:$0x3] =	sbarrier.arrive $0xFFFF;
	s2 =	simm.s32 @!p0 $0x1C01  }
0x58: {  	[timem:s3], [sflag:s2] =	dma.local @!p0 [hbm:s0], s1  }
0x59: {  	s0 =	simm.s32 @!p0 $0x1  }
0x5a: {  	_ =	swait.ge @!p0 [sflag:s0], s1  }
0x5b: {  	s1 =	ssub.s32 @!p0 $0x0, s1;
	[sflag:s0] =	ssyncset.done @!p0 $0x0  }
0x5c: {  	[sflag:s0] =	ssyncadd.s32 @!p0 s1  }
0x5d: {  	[bflag:$0x3] =	sbarrier.arrive $0xFFFF  }
0x5e: {  	_ =	shalt  }

// kernel: gather_offload_async_start.2
scs
__scs_entry_jumppad:
0x0: {  	(pc) =	sbr.rel $0x88, $3  }
0x1: {  	(tag) =	ssettag $0x0;
	lr =	simm.s32 $0x1  }
0x2: {  	[smem:$0x3F6E] =	sst lr;
	_ =	strace $0xD0000000  }
0x3: {  	_ = 	snop  }
0x4: {  	_ = 	snop  }
0x5: {  	_ = 	snop  }
0x6: {  	_ = 	snop  }
0x7: {  	_ = 	snop  }
__scs_overlays_trampoline_lowered:
0x8: {  	[smem:$0x3F7D] =	sst s0  }
0x9: {  	[smem:$0x3F7E] =	sst s1  }
0xa: {  	[smem:$0x3F7F] =	sst s2  }
0xb: {  	[smem:$0x3F80] =	sst s3  }
0xc: {  	[smem:$0x3F81] =	sst s4  }
0xd: {  	[smem:$0x3F82] =	sst s5  }
0xe: {  	[smem:$0x3F83] =	sst s6  }
0xf: {  	[smem:$0x3F84] =	sst s7  }
0x10: {  	[smem:$0x3F85] =	sst s8  }
0x11: {  	[smem:$0x3F86] =	sst s9;
	s0 =	simm.s32 @!p0 $0x0  }
0x12: {  	s1 =	sld [smem:$0x3F6C];
	s0 =	simm.s32 @p0 $0x1  }
0x13: {  	[smem:$0x3F87] =	sst s0;
	s0 =	simm.s32 @!p1 $0x0  }
0x14: {  	s2 =	sld [smem:$0x3F6B];
	s0 =	simm.s32 @p1 $0x1  }
0x15: {  	[smem:$0x3F88] =	sst s0;
	s0 =	simm.s32 @!p2 $0x0  }
0x16: {  	s3 =	sld [smem:$0x3FDB];
	s0 =	simm.s32 @p2 $0x1  }
0x17: {  	s4 =	simm.s32 $0x1BF5;
	[smem:$0x3F8A] =	sst s0  }
0x18: {  	s0 =	sld [smem:$0x3F6D];
	_ =	swait.ge [sflag:s4], $0x0  }
0x19: {  	s7 =	sld [smem:$0x3F6E]  }
0x1a: {  	s8 =	sadd.s32 $0xFFFFE003, lr  }
0x1b: {  	s9 =	sadd.s32 $0xFFFFFEF7, lr;
	s5 =	simm.s32 $0xFFFFFFFF;
	p2 =	slt.u32 s8, $0xFFFFF086  }
0x1c: {  	p1 =	slt.u32 s9, $0xF7A;
	s5 =	simm.s32 @!p2 $0x0  }
0x1d: {  	s5 =	simm.s32 @p1 $0x1;
	p0 =	seq.s32 s7, s2  }
0x1e: {  	s7 =	smul.u32 @!p0 $0xF7A, s2;
	p2 =	seq.s32 @!p0 s5, $0x0  }
0x1f: {  	s9 =	smul.u32 $0xF7A, s1;
	s8 =	simm.s32 @!p0 $0x1BF5;
	p2 =	por !p2, p0  }
0x20: {  	[sflag:s8] =	ssyncset.s32 @!p0 $0xFFFFF086;
	s6 =	sadd.s32 @!p0 s3, s7;
	s7 =	simm.s32 @!p0 $0x108  }
0x21: {  	s3 =	sadd.s32 s3, s9;
	s6 =	sadd.s32 @!p0 $0x88, s6;
	s7 =	simm.s32 @p2 $0x1082  }
0x22: {  	[simem:s7], [sflag:s8] =	dma.local @!p0 [hbm:s6], $0xF7A  }
0x23: {  	s9 =	sor.u32 $0xD0000000, s2;
	s6 =	simm.s32 $0x108;
	_ =	swait.ge @!p0 [sflag:s8], $0x0  }
0x24: {  	s3 =	sadd.s32 $0x88, s3;
	s6 =	simm.s32 @!p1 $0x1082;
	[sflag:s4] =	ssyncset.s32 $0xFFFFF086  }
0x25: {  	[simem:s6], [sflag:s4] =	dma.local [hbm:s3], $0xF7A  }
0x26: {  	[smem:$0x3F6E] =	sst s1;
	(tag) =	ssettag s2;
	_ =	strace s9  }
0x27: {  	s1 =	sld [smem:$0x3F7E]  }
0x28: {  	s2 =	sld [smem:$0x3F7F]  }
0x29: {  	s4 =	sld [smem:$0x3F81]  }
0x2a: {  	p0 =	seq.s32 s5, $0x0;
	s5 =	sld [smem:$0x3F82]  }
0x2b: {  	s6 =	sld [smem:$0x3F83]  }
0x2c: {  	s7 =	sld [smem:$0x3F84]  }
0x2d: {  	s3 =	simm.s32 $0x108;
	s8 =	sld [smem:$0x3F85]  }
0x2e: {  	s3 =	simm.s32 @!p0 $0x1082;
	s9 =	sld [smem:$0x3F86]  }
0x2f: {  	lr =	sadd.s32 s0, s3;
	s0 =	sld [smem:$0x3F7D]  }
0x30: {  	s3 =	sld [smem:$0x3F80]  }
0x31: {  	[smem:$0x3F89] =	sst s10  }
0x32: {  	s10 =	sld [smem:$0x3F87];
	_ =	sdelay $0x3  }
0x33: {  	p0 =	seq.s32 s10, $0x1;
	s10 =	sld [smem:$0x3F89];
	_ =	sdelay $0x3  }
0x34: {  	[smem:$0x3F89] =	sst s10  }
0x35: {  	s10 =	sld [smem:$0x3F88];
	_ =	sdelay $0x3  }
0x36: {  	p1 =	seq.s32 s10, $0x1;
	s10 =	sld [smem:$0x3F89];
	_ =	sdelay $0x3  }
0x37: {  	[smem:$0x3F89] =	sst s10  }
0x38: {  	s10 =	sld [smem:$0x3F8A]  }
0x39: {  	_ = 	snop;
	(pc) =	sbr.ind lr, $3  }
0x3a: {  	_ = 	snop  }
0x3b: {  	_ = 	snop  }
0x3c: {  	p2 =	seq.s32 s10, $0x1;
	s10 =	sld [smem:$0x3F89]  }
0x3d: {  	_ =	shalt  }
0x3e: {  	_ =	shalt  }
0x3f: {  	_ =	shalt  }
0x40: {  	_ =	shalt  }
0x41: {  	_ =	shalt  }
0x42: {  	_ =	shalt  }
0x43: {  	_ =	shalt  }
0x44: {  	_ =	shalt  }
0x45: {  	_ =	shalt  }
0x46: {  	_ =	shalt  }
0x47: {  	_ =	shalt  }
0x48: {  	_ =	shalt  }
0x49: {  	_ =	shalt  }
0x4a: {  	_ =	shalt  }
0x4b: {  	_ =	shalt  }
0x4c: {  	_ =	shalt  }
0x4d: {  	_ =	shalt  }
0x4e: {  	_ =	shalt  }
0x4f: {  	_ =	shalt  }
0x50: {  	_ =	shalt  }
0x51: {  	_ =	shalt  }
0x52: {  	_ =	shalt  }
0x53: {  	_ =	shalt  }
0x54: {  	_ =	shalt  }
0x55: {  	_ =	shalt  }
0x56: {  	_ =	shalt  }
0x57: {  	_ =	shalt  }
0x58: {  	_ =	shalt  }
0x59: {  	_ =	shalt  }
0x5a: {  	_ =	shalt  }
0x5b: {  	_ =	shalt  }
0x5c: {  	_ =	shalt  }
0x5d: {  	_ =	shalt  }
0x5e: {  	_ =	shalt  }
0x5f: {  	_ =	shalt  }
0x60: {  	_ =	shalt  }
0x61: {  	_ =	shalt  }
0x62: {  	_ =	shalt  }
0x63: {  	_ =	shalt  }
0x64: {  	_ =	shalt  }
0x65: {  	_ =	shalt  }
0x66: {  	_ =	shalt  }
0x67: {  	_ =	shalt  }
0x68: {  	_ =	shalt  }
0x69: {  	_ =	shalt  }
0x6a: {  	_ =	shalt  }
0x6b: {  	_ =	shalt  }
0x6c: {  	_ =	shalt  }
0x6d: {  	_ =	shalt  }
0x6e: {  	_ =	shalt  }
0x6f: {  	_ =	shalt  }
0x70: {  	_ =	shalt  }
0x71: {  	_ =	shalt  }
0x72: {  	_ =	shalt  }
0x73: {  	_ =	shalt  }
0x74: {  	_ =	shalt  }
0x75: {  	_ =	shalt  }
0x76: {  	_ =	shalt  }
0x77: {  	_ =	shalt  }
0x78: {  	_ =	shalt  }
0x79: {  	_ =	shalt  }
0x7a: {  	_ =	shalt  }
0x7b: {  	_ =	shalt  }
0x7c: {  	_ =	shalt  }
0x7d: {  	_ =	shalt  }
0x7e: {  	_ =	shalt  }
0x7f: {  	_ =	shalt  }
0x80: {  	_ =	shalt  }
0x81: {  	_ =	shalt  }
0x82: {  	_ =	shalt  }
0x83: {  	_ =	shalt  }
0x84: {  	_ =	shalt  }
0x85: {  	_ =	shalt  }
0x86: {  	_ =	shalt  }
0x87: {  	_ =	shalt  }
.Lfunc_end0:
.L_simem_size_0:
called_computation.3_lowered:
.L_overlay_start_0:
0x88: {  	s2 =	sld [smem:$0x3FD9]  }
0x89: {  	s3 =	sld [smem:$0x3FFE];
	_ =	sdelay $0x1  }
0x8a: {  	s1 =	srdreg.scid  }
0x8b: {  	s0 =	sand.u32 $0x1, s1  }
0x8c: {  	s16 =	sshll.u32 s0, $0xA;
	s2 =	sadd.s32 s3, s2  }
0x8d: {  	s2 =	sadd.s32 s2, s16  }
0x8e: {  	[smem:$0x3F95] =	sst s2  }
0x8f: {  	_ = 	snop  }
0x90: {  	(tm) =	ssettm $0x1  }
0x91: {  	s17 =	sld [smem:$0x3FFB];
	_ =	sdelay $0x3  }
0x92: {  	_ =	strace s17  }
0x93: {  	s2 =	sld [smem:$0x3FFC];
	_ =	sdelay $0x3  }
0x94: {  	_ =	strace s2  }
0x95: {  	s2 =	sld [smem:$0x3FFD];
	_ =	sdelay $0x3  }
0x96: {  	_ =	strace s2  }
0x97: {  	_ =	strace $0x8FFFFFFF  }
0x98: {  	s18 =	sld [smem:$0x3FDB];
	_ =	sdelay $0x1  }
0x99: {  	s19 =	simm.s32 $_scs_section_size  }
0x9a: {  	s4 =	simm.s32 $_size__tile_overlayer_lowered;
	s5 =	simm.s32 $_tile_overlayer_lowered  }
0x9b: {  	s22 =	simm.s32 $0x1BFF;
	s21 =	sshll.u32 s5, $0x1;
	s2 =	sadd.s32 s19, s18  }
0x9c: {  	s6 =	simm.s32 $0x0;
	s20 =	sshll.u32 s4, $0x1;
	s4 =	sadd.s32 s21, s2  }
0x9d: {  	[timem:s6], [sflag:s22] =	dma.local [hbm:s4], s20  }
0x9e: {  	_ =	swait.ge [sflag:s22], s20  }
0x9f: {  	s3 =	ssub.s32 $0x0, s20;
	[sflag:s22] =	ssyncset.done $0x0  }
0xa0: {  	[sflag:s22] =	ssyncadd.s32 s3;
	_ =	sdelay $0x1  }
0xa1: {  	s23 =	simm.s32 $0x1B8B  }
0xa2: {  	_ =	swait.ge [sflag:s23], $0x1  }
0xa3: {  	[sflag:s23] =	ssyncset.done $0x0  }
0xa4: {  	s25 =	simm.s32 $0x1B8E;
	s24 =	sld [smem:$0x3FFE];
	[sflag:s23] =	ssyncadd.s32 $0xFFFFFFFF  }
0xa5: {  	s26 =	simm.s32 $execute0_lowered;
	[smem:$0x3FD2] =	sst s25  }
0xa6: {  	s4 =	sshll.u32 s26, $0x1;
	_ =	strace $0x80000046;
	[dreg:$0x1] =	wrdreg $0xFFFFFFFF  }
0xa7: {  	s28 =	simm.s32 $_size_execute0_lowered;
	s2 =	sadd.s32 s2, s4;
	[dreg:$0x0] =	wrdreg $0x0  }
0xa8: {  	s4 =	sshll.u32 s28, $0x1;
	[dreg:$0x2] =	wrdreg s2  }
0xa9: {  	[dreg:$0x3] =	wrdreg s4  }
0xaa: {  	[dreg:$0x4] =	wrdreg $0xC0  }
0xab: {  	_ =	task [dreg:s6], $0x5FFFF  }
0xac: {  	[dreg:$0x1] =	wrdreg $0xFFFFFFFF  }
0xad: {  	[dreg:$0x0] =	wrdreg $0x60  }
0xae: {  	[dreg:$0x2] =	wrdreg s24  }
0xaf: {  	[dreg:$0x3] =	wrdreg $0xB  }
0xb0: {  	_ =	task.clear_ibuf [dreg:s6], $0x4FFFF;
	_ =	strace $0x90000046  }
0xb1: {  	s29 =	simm.s32 $0xB;
	_ =	strace $0x80000048  }
0xb2: {  	_ =	swait.ge [sflag:s29], $0x1  }
0xb3: {  	[sflag:s29] =	ssyncadd.s32 $0xFFFFFFFF  }
0xb4: {  	_ =	strace $0x90000048  }
0xb5: {  	_ =	sfence  }
0xb6: {  	s30 =	sld [smem:$0x0];
	_ =	sdelay $0x2  }
0xb7: {  	s31 =	sshll.u32 s1, $0xD;
	s1 =	sshrl.u32 s1, $0x2  }
0xb8: {  	s3 =	sand.u32 $0x4000, s31;
	s1 =	sadd.s32 s1, s30  }
0xb9: {  	s0 =	sor.u32 s3, s0;
	s1 =	sshll.u32 s1, $0x11  }
0xba: {  	s0 =	sor.u32 s1, s0  }
0xbb: {  	s0 =	sadd.s32 $0x8F2B, s0  }
0xbc: {  	[sflag:s0] =	ssyncadd.remote.s32 $0x1  }
0xbd: {  	_ =	sfence.sel $0xFFFF  }
0xbe: {  	[dreg:$0x0] =	wrdreg $0xFFFFFFFF;
	(pc) =	sbr.abs _section_cstart, $3  }
0xbf: {  	[dreg:$0x1] =	wrdreg $0xFFFFFFFF  }
0xc0: {  	_ =	task.clear_ibuf [dreg:s6], $0x2FFFF;
	_ =	strace $0x9FFFFFFF  }
0xc1: {  	(tm) =	ssettm $0x7FFFFFFF  }
tec
execute0_lowered:
.L_overlay_start_1:
0x0: {  	(tag) =	ssettag $0x1  }
0x1: {  	s0 =	srdreg.scid;
	s5 =	rddreg [dreg:$0x0]  }
0x2: {  	s1 =	stileid.u32;
	s6 =	simm.s32 $0x1;
	s9 =	simm.s32 $0x1  }
0x3: {  	s10 =	simm.s32 $0x3;
	s13 =	simm.s32 $0x0;
	s2 =	sshll.u32 s0, $0xD  }
0x4: {  	s12 =	simm.s32 $0x0;
	s3 =	sshll.u32 s1, $0xE;
	s2 =	sand.u32 $0x2000, s2  }
0x5: {  	s0 =	rddreg [dreg:$0x1];
	_ =	strace $0x80000047;
	s2 =	sor.u32 s3, s2  }
0x6: {  	s4 =	sadd.s32 $0x819C00, s5;
	[sflag:s6] =	ssyncpa.u1 $0x0;
	s8 =	ssub.s32 $0x60000, s2  }
.Ltmp0:
0x7: {  	s3 =	sadd.s32 $0x19C00, s5;
	s7 =	sand.u32 $0x3E000, s8;
	(pc) =	sbr.rel .LBB2_1-.Ltmp0, $4  }
0x8: {  	s5 =	sadd.s32 $0x219C00, s5;
	s11 =	smov.u32 s2;
	p0 =	sne.s32 s7, $0x0  }
0x9: {  	s8 =	sshrl.u32 s8, $0x12;
	s7 =	simm.s32 $0x2;
	s9 =	simm.s32 @!p0 $0x0  }
0xa: {  	[sflag:s7] =	ssyncpa.u1 $0x0;
	p0 =	por $0x0, $0x0;
	s8 =	sadd.s32 s9, s8  }
0xb: {  	vm0 =	vmmov $0xffff;
	[sflag:s10] =	ssyncpa.u1 $0x0;
	s10 =	simm.s32 $0x0;
	s9 =	sadd.s32 $0x1, s8  }
.LBB2_4:
0xc: {  	v3 =	vshrl.u32 v0, $0x4;
	v4 =	vshrl.u32 v0, $0x11;
	v1 =	vor.u32 v1, v2  }
0xd: {  	v62 =	vshll.u32 v0, $0x14;
	v60 =	vand.u32 $0x1FFF, v3;
	v61 =	vand.u32 $0x7F, v4  }
0xe: {  	v0 =	vand.u32 $0xF00000, v62;
	v2 =	vsel vm1, $0xFFFFFFFF, v60;
	v3 =	vsel vm1, $0xFFFFFFFF, v61  }
0xf: {  	v0 =	vsel vm1, $0xFFF00000, v0;
	v63 =	vand.u32 $0x7F, v2;
	v5 =	vshll.u32 v3, $0xD  }
0x10: {  	v2 =	vshll.u32 v2, $0x3;
	v5 =	vand.u32 $0xFFFF0000, v5;
	v0 =	vor.u32 v0, v63  }
0x11: {  	v3 =	vshll.u32 v3, $0x7;
	v2 =	vand.u32 $0xFFFFFC00, v2;
	v0 =	vadd.s32 v5, v0  }
0x12: {  	v3 =	vand.u32 $0x380, v3;
	v0 =	vadd.s32 v2, v0  }
0x13: {  	v0 =	vor.u32 v3, v0;
	_ =	sdelay $0x1  }
0x14: {  	(ifvalue) =	ssetifvalue $0x7FFFFFFF;
	s14 =	sadd.s32 $0x10, s14  }
0x15: {  	[tilespmem:s14], [sflag:$0x1] =	stream.indirect_vreg.gather [hbm4b:s3+s10], $0x1, v1, vm0, $0x4038;
	[tilespmem:$0x8000] =	vst v63  }
0x16: {  	(ifvalue) =	ssetifvalue $0x7FFFFFFF;
	s14 =	sadd.s32 $0x10, s14  }
0x17: {  	[tilespmem:s14], [sflag:$0x1] =	stream.indirect_vreg.gather [hbm4b:s3+s10], $0x1, v0, vm0, $0x4038;
	[tilespmem:$0x8000] =	vst v63  }
0x18: {  	_ =	swait.ge [sflag:s6], $0x2000  }
0x19: {  	s30 =	sshrl.u32 s13, $0x3;
	[sflag:s6] =	ssyncset.done $0x0  }
0x1a: {  	s31 =	sand.u32 $0x7, s13;
	s14 =	sadd.s32 s5, s30;
	[sflag:s6] =	ssyncadd.s32 $0xFFFFE000  }
0x1b: {  	[hbm4b:s14+s31] =	stream.linear.scatter [tilespmem:s15], [sflag:$0x3], $0x2000, $0x38;
	[tilespmem:$0x8000] =	vst v63  }
.LBB2_5:
0x1c: {  	s15 =	sadd.s32 $0x40000, s11  }
0x1d: {  	p2 =	sgt.s32 s15, $0x5FFFF  }
0x1e: {  	s15 =	smov.u32 @p2 s2;
	p2 =	sne.s32 s12, s9  }
.Ltmp1:
0x1f: {  	p1 =	slt.u32 s12, $0x2;
	(pc) =	sbr.rel @!p2 .LBB2_6-.Ltmp1, $4  }
0x20: {  	s14 =	simm.s32 @!p1 $0x3  }
0x21: {  	s16 =	sadd.s32 $0x1, s12;
	_ =	swait.ge @!p1 [sflag:s14], $0x2000  }
0x22: {  	s13 =	smov.u32 s11;
	p0 =	por !p0, !p0;
	[sflag:s14] =	ssyncset.done @!p1 $0x0  }
0x23: {  	s12 =	smov.u32 s16;
	s11 =	smov.u32 s15;
	[sflag:s14] =	ssyncadd.s32 @!p1 $0xFFFFE000  }
.LBB2_1:
0x24: {  	p1 =	sge.u32 s12, s8  }
0x25: {  	s14 =	sxor.u32 @!p1 $0xFFFFFFFF, s12  }
0x26: {  	s31 =	sadd.s32 $0xFFFFFFFF, s12;
	s15 =	sshrl.u32 @!p1 s11, $0x3;
	s14 =	sshll.u32 @!p1 s14, $0xD  }
0x27: {  	s16 =	sand.u32 @!p1 $0x7, s11;
	s15 =	sadd.s32 @!p1 s4, s15;
	s14 =	sand.u32 @!p1 $0x2000, s14  }
0x28: {  	[tilespmem:s14], [sflag:$0x2] =	stream.linear.gather @!p1 [hbm4b:s15+s16], $0x2000, $0x38;
	[tilespmem:$0x8000] =	vst v63  }
0x29: {  	p1 =	sge.u32 s31, s8  }
.Ltmp2:
0x2a: {  	_ = 	snop;
	(pc) =	sbr.rel @p1 .LBB2_5-.Ltmp2, $1  }
0x2b: {  	_ =	sdelay $0x3  }
0x2c: {  	s14 =	simm.s32 $0x1  }
0x2d: {  	_ =	swait.ge [sflag:s7], $0x2000;
	s14 =	simm.s32 @!p0 $0x0  }
0x2e: {  	[sflag:s7] =	ssyncset.done $0x0;
	s14 =	sshll.u32 s14, $0xD  }
0x2f: {  	[sflag:s7] =	ssyncadd.s32 $0xFFFFE000;
	(ifvalue) =	ssetifvalue $0x7FFFFFFF;
	v0 =	vld.msk [tilespmem:s14+$0x0 ss:$0x1], $0xffff;
	_ =	sdelay $0x4  }
0x30: {  	s15 =	sadd.s32 $0x10, s14;
	vm1 =	veq.s32 v0, $0x80000000;
	v1 =	vshrl.u32 v0, $0x4;
	v2 =	vshrl.u32 v0, $0x11  }
0x31: {  	v3 =	vld.msk [tilespmem:s15+$0x0 ss:$0x1], $0xffff;
	v0 =	vshll.u32 v0, $0x14;
	v1 =	vand.u32 $0x1FFF, v1;
	v2 =	vand.u32 $0x7F, v2  }
0x32: {  	v0 =	vand.u32 $0xF00000, v0;
	v1 =	vsel vm1, $0xFFFFFFFF, v1;
	v2 =	vsel vm1, $0xFFFFFFFF, v2  }
0x33: {  	v0 =	vsel vm1, $0xFFF00000, v0;
	v4 =	vand.u32 $0x7F, v1;
	v5 =	vshll.u32 v2, $0xD  }
0x34: {  	v1 =	vshll.u32 v1, $0x3;
	v5 =	vand.u32 $0xFFFF0000, v5;
	v0 =	vor.u32 v0, v4  }
0x35: {  	v2 =	vshll.u32 v2, $0x7;
	v1 =	vand.u32 $0xFFFFFC00, v1;
	v0 =	vadd.s32 v5, v0  }
0x36: {  	v62 =	vshrl.u32 v3, $0x11;
	v2 =	vand.u32 $0x380, v2;
	v0 =	vadd.s32 v1, v0  }
0x37: {  	s17 =	sadd.s32 $0x10, s15;
	vm1 =	veq.s32 v3, $0x80000000;
	v1 =	vor.u32 v2, v0;
	v2 =	vshrl.u32 v3, $0x4  }
0x38: {  	v4 =	vand.u32 $0x7F, v62;
	v0 =	vld.msk [tilespmem:s17+$0x0 ss:$0x1], $0xffff;
	v3 =	vshll.u32 v3, $0x14;
	v2 =	vand.u32 $0x1FFF, v2  }
0x39: {  	v4 =	vsel vm1, $0xFFFFFFFF, v4;
	v3 =	vand.u32 $0xF00000, v3;
	v2 =	vsel vm1, $0xFFFFFFFF, v2  }
0x3a: {  	s31 =	sshll.u32 s12, $0xD;
	v6 =	vshll.u32 v4, $0xD;
	v3 =	vsel vm1, $0xFFF00000, v3;
	v63 =	vand.u32 $0x7F, v2  }
0x3b: {  	s14 =	sor.u32 $0x4000, s14;
	s15 =	sand.u32 $0x2000, s31;
	(ifvalue) =	ssetifvalue $0x7FFFFFFF;
	v6 =	vand.u32 $0xFFFF0000, v6;
	v2 =	vshll.u32 v2, $0x3;
	v3 =	vor.u32 v3, v63  }
0x3c: {  	v2 =	vand.u32 $0xFFFFFC00, v2;
	[tilespmem:s14], [sflag:$0x1] =	stream.indirect_vreg.gather [hbm4b:s3+s10], $0x1, v1, vm0, $0x4038;
	v1 =	vshll.u32 v4, $0x7;
	v3 =	vadd.s32 v6, v3;
	[tilespmem:$0x8000] =	vst v63  }
0x3d: {  	s16 =	simm.s32 $0x20;
	s15 =	sor.u32 $0x4000, s15;
	s17 =	sadd.s32 $0x10, s17;
	vm1 =	veq.s32 v0, $0x80000000;
	v1 =	vand.u32 $0x380, v1;
	v2 =	vadd.s32 v2, v3  }
.LBB2_3:
0x3e: {  	v3 =	vld.msk [tilespmem:s17+$0x0 ss:$0x1], $0xffff;
	v4 =	vshrl.u32 v0, $0x4;
	v5 =	vshrl.u32 v0, $0x11;
	v1 =	vor.u32 v1, v2;
	s16 =	sadd.s32 $0x10, s16  }
0x3f: {  	v0 =	vshll.u32 v0, $0x14;
	v2 =	vand.u32 $0x1FFF, v4;
	v4 =	vand.u32 $0x7F, v5;
	p1 =	slt.u32 s16, $0x1FF0  }
.Ltmp3:
0x40: {  	v0 =	vand.u32 $0xF00000, v0;
	v2 =	vsel vm1, $0xFFFFFFFF, v2;
	v4 =	vsel vm1, $0xFFFFFFFF, v4;
	(pc) =	sbr.rel @p1 .LBB2_3-.Ltmp3, $4  }
0x41: {  	v0 =	vsel vm1, $0xFFF00000, v0;
	v5 =	vand.u32 $0x7F, v2;
	v6 =	vshll.u32 v4, $0xD  }
0x42: {  	s14 =	sadd.s32 $0x10, s14;
	v2 =	vshll.u32 v2, $0x3;
	v6 =	vand.u32 $0xFFFF0000, v6;
	v7 =	vor.u32 v0, v5;
	(ifvalue) =	ssetifvalue $0x7FFFFFFF  }
0x43: {  	v4 =	vshll.u32 v4, $0x7;
	v2 =	vand.u32 $0xFFFFFC00, v2;
	v5 =	vadd.s32 v6, v7;
	[tilespmem:s14], [sflag:$0x1] =	stream.indirect_vreg.gather [hbm4b:s3+s10], $0x1, v1, vm0, $0x4038;
	[tilespmem:$0x8000] =	vst v63  }
0x44: {  	s17 =	sadd.s32 $0x10, s17;
	vm1 =	veq.s32 v3, $0x80000000;
	v1 =	vand.u32 $0x380, v4;
	v0 =	vmovc v3;
	v2 =	vadd.s32 v2, v5  }
.Ltmp4:
0x45: {  	_ = 	snop;
	(pc) =	sbr.rel .LBB2_4-.Ltmp4, $1  }
0x46: {  	_ =	sdelay $0x3  }
.LBB2_6:
0x47: {  	_ =	sfence.sel $0x180000  }
0x48: {  	s2 =	simm.s32 $0x2;
	[bflag:$0x0] =	sbarrier.arrive $0xFFFF  }
0x49: {  	s30 =	simm.s32 $0x3;
	[sflag:s2] =	ssyncpa.u1 $0x1  }
0x4a: {  	s31 =	simm.s32 $0x1;
	[sflag:s30] =	ssyncpa.u1 $0x1  }
0x4b: {  	[sflag:s31] =	ssyncpa.u1 $0x1  }
0x4c: {  	p0 =	sne.s32 s1, $0x0;
	_ =	strace $0x90000047  }
0x4d: {  	s0 =	sadd.s32 @!p0 $0x100000, s0;
	[bflag:$0x2] =	sbarrier.arrive $0xFFFF  }
0x4e: {  	[sflag:s0] =	ssyncadd.tile.s32 @!p0 $0x1;
	_ =	shalt  }
.Lfunc_end2:
_tile_overlayer_lowered:
.L_overlay_start_2:
0x4f: {  	(tag) =	ssettag $0x2  }
0x50: {  	s0 =	rddreg [dreg:$0x0];
	s2 =	stileid.u32  }
0x51: {  	s1 =	rddreg [dreg:$0x1];
	p0 =	sne.s32 s2, $0x0  }
0x52: {  	s3 =	rddreg [dreg:$0x2];
	[bflag:$0x3] =	sbarrier.arrive $0xFFFF;
	s2 =	simm.s32 @!p0 $0x1C01  }
0x53: {  	[timem:s3], [sflag:s2] =	dma.local @!p0 [hbm:s0], s1  }
0x54: {  	s0 =	simm.s32 @!p0 $0x1  }
0x55: {  	_ =	swait.ge @!p0 [sflag:s0], s1  }
0x56: {  	s1 =	ssub.s32 @!p0 $0x0, s1;
	[sflag:s0] =	ssyncset.done @!p0 $0x0  }
0x57: {  	[sflag:s0] =	ssyncadd.s32 @!p0 s1  }
0x58: {  	[bflag:$0x3] =	sbarrier.arrive $0xFFFF  }
0x59: {  	_ =	shalt  }

// kernel: gather_offload_async_start
scs
__scs_entry_jumppad:
0x0: {  	(pc) =	sbr.rel $0x88, $3  }
0x1: {  	(tag) =	ssettag $0x0;
	lr =	simm.s32 $0x1  }
0x2: {  	[smem:$0x3F6E] =	sst lr;
	_ =	strace $0xD0000000  }
0x3: {  	_ = 	snop  }
0x4: {  	_ = 	snop  }
0x5: {  	_ = 	snop  }
0x6: {  	_ = 	snop  }
0x7: {  	_ = 	snop  }
__scs_overlays_trampoline_lowered:
0x8: {  	[smem:$0x3F7D] =	sst s0  }
0x9: {  	[smem:$0x3F7E] =	sst s1  }
0xa: {  	[smem:$0x3F7F] =	sst s2  }
0xb: {  	[smem:$0x3F80] =	sst s3  }
0xc: {  	[smem:$0x3F81] =	sst s4  }
0xd: {  	[smem:$0x3F82] =	sst s5  }
0xe: {  	[smem:$0x3F83] =	sst s6  }
0xf: {  	[smem:$0x3F84] =	sst s7  }
0x10: {  	[smem:$0x3F85] =	sst s8  }
0x11: {  	[smem:$0x3F86] =	sst s9;
	s0 =	simm.s32 @!p0 $0x0  }
0x12: {  	s1 =	sld [smem:$0x3F6C];
	s0 =	simm.s32 @p0 $0x1  }
0x13: {  	[smem:$0x3F87] =	sst s0;
	s0 =	simm.s32 @!p1 $0x0  }
0x14: {  	s2 =	sld [smem:$0x3F6B];
	s0 =	simm.s32 @p1 $0x1  }
0x15: {  	[smem:$0x3F88] =	sst s0;
	s0 =	simm.s32 @!p2 $0x0  }
0x16: {  	s3 =	sld [smem:$0x3FDB];
	s0 =	simm.s32 @p2 $0x1  }
0x17: {  	s4 =	simm.s32 $0x1BF5;
	[smem:$0x3F8A] =	sst s0  }
0x18: {  	s0 =	sld [smem:$0x3F6D];
	_ =	swait.ge [sflag:s4], $0x0  }
0x19: {  	s7 =	sld [smem:$0x3F6E]  }
0x1a: {  	s8 =	sadd.s32 $0xFFFFE003, lr  }
0x1b: {  	s9 =	sadd.s32 $0xFFFFFEF7, lr;
	s5 =	simm.s32 $0xFFFFFFFF;
	p2 =	slt.u32 s8, $0xFFFFF086  }
0x1c: {  	p1 =	slt.u32 s9, $0xF7A;
	s5 =	simm.s32 @!p2 $0x0  }
0x1d: {  	s5 =	simm.s32 @p1 $0x1;
	p0 =	seq.s32 s7, s2  }
0x1e: {  	s7 =	smul.u32 @!p0 $0xF7A, s2;
	p2 =	seq.s32 @!p0 s5, $0x0  }
0x1f: {  	s9 =	smul.u32 $0xF7A, s1;
	s8 =	simm.s32 @!p0 $0x1BF5;
	p2 =	por !p2, p0  }
0x20: {  	[sflag:s8] =	ssyncset.s32 @!p0 $0xFFFFF086;
	s6 =	sadd.s32 @!p0 s3, s7;
	s7 =	simm.s32 @!p0 $0x108  }
0x21: {  	s3 =	sadd.s32 s3, s9;
	s6 =	sadd.s32 @!p0 $0x88, s6;
	s7 =	simm.s32 @p2 $0x1082  }
0x22: {  	[simem:s7], [sflag:s8] =	dma.local @!p0 [hbm:s6], $0xF7A  }
0x23: {  	s9 =	sor.u32 $0xD0000000, s2;
	s6 =	simm.s32 $0x108;
	_ =	swait.ge @!p0 [sflag:s8], $0x0  }
0x24: {  	s3 =	sadd.s32 $0x88, s3;
	s6 =	simm.s32 @!p1 $0x1082;
	[sflag:s4] =	ssyncset.s32 $0xFFFFF086  }
0x25: {  	[simem:s6], [sflag:s4] =	dma.local [hbm:s3], $0xF7A  }
0x26: {  	[smem:$0x3F6E] =	sst s1;
	(tag) =	ssettag s2;
	_ =	strace s9  }
0x27: {  	s1 =	sld [smem:$0x3F7E]  }
0x28: {  	s2 =	sld [smem:$0x3F7F]  }
0x29: {  	s4 =	sld [smem:$0x3F81]  }
0x2a: {  	p0 =	seq.s32 s5, $0x0;
	s5 =	sld [smem:$0x3F82]  }
0x2b: {  	s6 =	sld [smem:$0x3F83]  }
0x2c: {  	s7 =	sld [smem:$0x3F84]  }
0x2d: {  	s3 =	simm.s32 $0x108;
	s8 =	sld [smem:$0x3F85]  }
0x2e: {  	s3 =	simm.s32 @!p0 $0x1082;
	s9 =	sld [smem:$0x3F86]  }
0x2f: {  	lr =	sadd.s32 s0, s3;
	s0 =	sld [smem:$0x3F7D]  }
0x30: {  	s3 =	sld [smem:$0x3F80]  }
0x31: {  	[smem:$0x3F89] =	sst s10  }
0x32: {  	s10 =	sld [smem:$0x3F87];
	_ =	sdelay $0x3  }
0x33: {  	p0 =	seq.s32 s10, $0x1;
	s10 =	sld [smem:$0x3F89];
	_ =	sdelay $0x3  }
0x34: {  	[smem:$0x3F89] =	sst s10  }
0x35: {  	s10 =	sld [smem:$0x3F88];
	_ =	sdelay $0x3  }
0x36: {  	p1 =	seq.s32 s10, $0x1;
	s10 =	sld [smem:$0x3F89];
	_ =	sdelay $0x3  }
0x37: {  	[smem:$0x3F89] =	sst s10  }
0x38: {  	s10 =	sld [smem:$0x3F8A]  }
0x39: {  	_ = 	snop;
	(pc) =	sbr.ind lr, $3  }
0x3a: {  	_ = 	snop  }
0x3b: {  	_ = 	snop  }
0x3c: {  	p2 =	seq.s32 s10, $0x1;
	s10 =	sld [smem:$0x3F89]  }
0x3d: {  	_ =	shalt  }
0x3e: {  	_ =	shalt  }
0x3f: {  	_ =	shalt  }
0x40: {  	_ =	shalt  }
0x41: {  	_ =	shalt  }
0x42: {  	_ =	shalt  }
0x43: {  	_ =	shalt  }
0x44: {  	_ =	shalt  }
0x45: {  	_ =	shalt  }
0x46: {  	_ =	shalt  }
0x47: {  	_ =	shalt  }
0x48: {  	_ =	shalt  }
0x49: {  	_ =	shalt  }
0x4a: {  	_ =	shalt  }
0x4b: {  	_ =	shalt  }
0x4c: {  	_ =	shalt  }
0x4d: {  	_ =	shalt  }
0x4e: {  	_ =	shalt  }
0x4f: {  	_ =	shalt  }
0x50: {  	_ =	shalt  }
0x51: {  	_ =	shalt  }
0x52: {  	_ =	shalt  }
0x53: {  	_ =	shalt  }
0x54: {  	_ =	shalt  }
0x55: {  	_ =	shalt  }
0x56: {  	_ =	shalt  }
0x57: {  	_ =	shalt  }
0x58: {  	_ =	shalt  }
0x59: {  	_ =	shalt  }
0x5a: {  	_ =	shalt  }
0x5b: {  	_ =	shalt  }
0x5c: {  	_ =	shalt  }
0x5d: {  	_ =	shalt  }
0x5e: {  	_ =	shalt  }
0x5f: {  	_ =	shalt  }
0x60: {  	_ =	shalt  }
0x61: {  	_ =	shalt  }
0x62: {  	_ =	shalt  }
0x63: {  	_ =	shalt  }
0x64: {  	_ =	shalt  }
0x65: {  	_ =	shalt  }
0x66: {  	_ =	shalt  }
0x67: {  	_ =	shalt  }
0x68: {  	_ =	shalt  }
0x69: {  	_ =	shalt  }
0x6a: {  	_ =	shalt  }
0x6b: {  	_ =	shalt  }
0x6c: {  	_ =	shalt  }
0x6d: {  	_ =	shalt  }
0x6e: {  	_ =	shalt  }
0x6f: {  	_ =	shalt  }
0x70: {  	_ =	shalt  }
0x71: {  	_ =	shalt  }
0x72: {  	_ =	shalt  }
0x73: {  	_ =	shalt  }
0x74: {  	_ =	shalt  }
0x75: {  	_ =	shalt  }
0x76: {  	_ =	shalt  }
0x77: {  	_ =	shalt  }
0x78: {  	_ =	shalt  }
0x79: {  	_ =	shalt  }
0x7a: {  	_ =	shalt  }
0x7b: {  	_ =	shalt  }
0x7c: {  	_ =	shalt  }
0x7d: {  	_ =	shalt  }
0x7e: {  	_ =	shalt  }
0x7f: {  	_ =	shalt  }
0x80: {  	_ =	shalt  }
0x81: {  	_ =	shalt  }
0x82: {  	_ =	shalt  }
0x83: {  	_ =	shalt  }
0x84: {  	_ =	shalt  }
0x85: {  	_ =	shalt  }
0x86: {  	_ =	shalt  }
0x87: {  	_ =	shalt  }
.Lfunc_end0:
.L_simem_size_0:
called_computation.1_lowered:
.L_overlay_start_0:
0x88: {  	s2 =	sld [smem:$0x3FD9]  }
0x89: {  	s3 =	sld [smem:$0x3FFE];
	_ =	sdelay $0x1  }
0x8a: {  	s1 =	srdreg.scid  }
0x8b: {  	s0 =	sand.u32 $0x1, s1  }
0x8c: {  	s14 =	sshll.u32 s0, $0xA;
	s2 =	sadd.s32 s3, s2  }
0x8d: {  	s2 =	sadd.s32 s2, s14  }
0x8e: {  	[smem:$0x3F95] =	sst s2  }
0x8f: {  	_ = 	snop  }
0x90: {  	s2 =	sld [smem:$0x3FD0];
	_ =	sdelay $0x2  }
0x91: {  	s15 =	simm.s32 $0xC;
	s4 =	simm.s32 $0x10  }
0x92: {  	[smem:s4], [sflag:s15] =	dma.local [hbm:s2], $0x1  }
0x93: {  	_ =	swait.eq [sflag:s15], $0x1  }
0x94: {  	[sflag:s15] =	ssyncset.done $0x0  }
0x95: {  	[sflag:s15] =	ssyncadd.s32 $0xFFFFFFFF  }
0x96: {  	s16 =	sld [smem:$0x11];
	(tm) =	ssettm $0x1  }
0x97: {  	s17 =	sld [smem:$0x3FFB];
	_ =	sdelay $0x3  }
0x98: {  	_ =	strace s17  }
0x99: {  	s3 =	sld [smem:$0x3FFC];
	_ =	sdelay $0x3  }
0x9a: {  	_ =	strace s3  }
0x9b: {  	s3 =	sld [smem:$0x3FFD];
	_ =	sdelay $0x3  }
0x9c: {  	_ =	strace s3  }
0x9d: {  	_ =	strace $0x8FFFFFFF  }
0x9e: {  	s18 =	sld [smem:$0x3FDB];
	_ =	sdelay $0x1  }
0x9f: {  	s19 =	simm.s32 $_scs_section_size  }
0xa0: {  	s5 =	simm.s32 $_size__tile_overlayer_lowered;
	s6 =	simm.s32 $_tile_overlayer_lowered  }
0xa1: {  	s22 =	simm.s32 $0x1BFF;
	s21 =	sshll.u32 s6, $0x1;
	s3 =	sadd.s32 s19, s18  }
0xa2: {  	s7 =	simm.s32 $0x0;
	s20 =	sshll.u32 s5, $0x1;
	s5 =	sadd.s32 s21, s3  }
0xa3: {  	[timem:s7], [sflag:s22] =	dma.local [hbm:s5], s20  }
0xa4: {  	_ =	swait.ge [sflag:s22], s20  }
0xa5: {  	s4 =	ssub.s32 $0x0, s20;
	[sflag:s22] =	ssyncset.done $0x0  }
0xa6: {  	[sflag:s22] =	ssyncadd.s32 s4;
	_ =	sdelay $0x1  }
0xa7: {  	s23 =	simm.s32 $0x1B8B  }
0xa8: {  	_ =	swait.ge [sflag:s23], $0x1  }
0xa9: {  	[sflag:s23] =	ssyncset.done $0x0  }
0xaa: {  	s25 =	simm.s32 $0x1B8E;
	s24 =	sld [smem:$0x3FFE];
	[sflag:s23] =	ssyncadd.s32 $0xFFFFFFFF  }
0xab: {  	s26 =	simm.s32 $execute0_lowered;
	[smem:$0x3FD2] =	sst s25  }
0xac: {  	s5 =	sshll.u32 s26, $0x1;
	_ =	strace $0x8000004F;
	[dreg:$0x1] =	wrdreg $0xFFFFFFFF  }
0xad: {  	s28 =	simm.s32 $_size_execute0_lowered;
	s3 =	sadd.s32 s3, s5;
	[dreg:$0x0] =	wrdreg $0x0  }
0xae: {  	s5 =	sshll.u32 s28, $0x1;
	[dreg:$0x2] =	wrdreg s3  }
0xaf: {  	[dreg:$0x3] =	wrdreg s5  }
0xb0: {  	[dreg:$0x4] =	wrdreg $0xC0  }
0xb1: {  	_ =	task [dreg:s7], $0x5FFFF  }
0xb2: {  	[dreg:$0x1] =	wrdreg $0xFFFFFFFF  }
0xb3: {  	[dreg:$0x0] =	wrdreg $0x60  }
0xb4: {  	[dreg:$0x2] =	wrdreg s24  }
0xb5: {  	[dreg:$0x3] =	wrdreg s16  }
0xb6: {  	[dreg:$0x4] =	wrdreg $0x9  }
0xb7: {  	_ =	task.clear_ibuf [dreg:s7], $0x5FFFF;
	_ =	strace $0x9000004F  }
0xb8: {  	s29 =	simm.s32 $0x9;
	_ =	strace $0x80000051  }
0xb9: {  	_ =	swait.ge [sflag:s29], $0x1  }
0xba: {  	[sflag:s29] =	ssyncadd.s32 $0xFFFFFFFF  }
0xbb: {  	_ =	strace $0x90000051  }
0xbc: {  	_ =	sfence  }
0xbd: {  	s30 =	sld [smem:$0x0];
	_ =	sdelay $0x2  }
0xbe: {  	s31 =	sshll.u32 s1, $0xD;
	s1 =	sshrl.u32 s1, $0x2  }
0xbf: {  	s3 =	sand.u32 $0x4000, s31;
	s1 =	sadd.s32 s1, s30  }
0xc0: {  	s0 =	sor.u32 s3, s0;
	s1 =	sshll.u32 s1, $0x11  }
0xc1: {  	s0 =	sor.u32 s1, s0  }
0xc2: {  	s0 =	sadd.s32 $0x8F2B, s0  }
0xc3: {  	[sflag:s0] =	ssyncadd.remote.s32 $0x1  }
0xc4: {  	_ =	sfence.sel $0xFFFF  }
0xc5: {  	[dreg:$0x0] =	wrdreg $0xFFFFFFFF;
	(pc) =	sbr.abs _section_cstart, $3  }
0xc6: {  	[dreg:$0x1] =	wrdreg $0xFFFFFFFF  }
0xc7: {  	_ =	task.clear_ibuf [dreg:s7], $0x2FFFF;
	_ =	strace $0x9FFFFFFF  }
0xc8: {  	(tm) =	ssettm $0x7FFFFFFF  }
0xc9: {  	_ =	shalt  }
tec
execute0_lowered:
.L_overlay_start_1:
0x0: {  	(tag) =	ssettag $0x1  }
0x1: {  	s7 =	rddreg [dreg:$0x0]  }
0x2: {  	s2 =	rddreg [dreg:$0x1]  }
0x3: {  	s0 =	rddreg [dreg:$0x2]  }
0x4: {  	s1 =	srdreg.scid;
	_ =	strace $0x80000050;
	s4 =	simm.s32 $0x1  }
0x5: {  	s9 =	simm.s32 $0x3;
	s11 =	simm.s32 $0x0;
	s5 =	sshll.u32 s1, $0x4  }
.Ltmp0:
0x6: {  	s1 =	stileid.u32;
	s5 =	sand.u32 $0x10, s5;
	(pc) =	sbr.rel .LBB2_1-.Ltmp0, $4  }
0x7: {  	p0 =	por $0x0, $0x0;
	s3 =	sadd.s32 $0xC25C00, s7;
	s6 =	sor.u32 s1, s5  }
0x8: {  	[sflag:s4] =	ssyncpa.u1 $0x0;
	s5 =	simm.s32 $0x2;
	s6 =	sshll.u32 s6, $0xB  }
0x9: {  	s7 =	sadd.s32 $0x15C00, s7;
	[sflag:s5] =	ssyncpa.u1 $0x0;
	s8 =	sadd.s32 $0x800, s6  }
0xa: {  	vm0 =	vmmov $0xff;
	vm1 =	vcmask $0x3F20;
	[sflag:s9] =	ssyncpa.u1 $0x0;
	s10 =	smov.u32 s6;
	s9 =	simm.s32 $0x0  }
.LBB2_7:
0xb: {  	p1 =	slt.u32 s9, $0x2;
	s11 =	sadd.s32 $0x100, s10  }
0xc: {  	s13 =	smov.u32 s6;
	s9 =	sadd.s32 $0x1, s9;
	p2 =	slt.s32 s11, s8  }
0xd: {  	s13 =	smov.u32 @p2 s11;
	p2 =	sne.s32 s9, $0xA  }
.Ltmp1:
0xe: {  	_ = 	snop;
	(pc) =	sbr.rel @!p2 .LBB2_8-.Ltmp1, $4  }
0xf: {  	s12 =	simm.s32 @!p1 $0x3  }
0x10: {  	_ =	swait.ge @!p1 [sflag:s12], $0x8000  }
0x11: {  	p0 =	por !p0, !p0;
	[sflag:s12] =	ssyncset.done @!p1 $0x0  }
0x12: {  	s11 =	smov.u32 s10;
	s10 =	smov.u32 s13;
	[sflag:s12] =	ssyncadd.s32 @!p1 $0xFFFF8000  }
.LBB2_1:
0x13: {  	p1 =	sgt.u32 s9, $0x7  }
0x14: {  	s12 =	sxor.u32 @!p1 $0xFFFFFFFF, s9  }
0x15: {  	s13 =	sshrl.u32 @!p1 s10, $0x3;
	s12 =	sshll.u32 @!p1 s12, $0x8  }
0x16: {  	s14 =	sand.u32 @!p1 $0x7, s10;
	s13 =	sadd.s32 @!p1 s2, s13;
	s12 =	sand.u32 @!p1 $0x100, s12  }
0x17: {  	[tilespmem:s12], [sflag:$0x2] =	stream.linear.gather @!p1 [hbm4b:s13+s14], $0x100, $0x38;
	[tilespmem:$0x10200] =	vst v63  }
0x18: {  	p1 =	seq.s32 s9, $0x0  }
0x19: {  	p2 =	seq.s32 @!p1 s9, $0x9  }
0x1a: {  	p1 =	por p1, p2  }
.Ltmp2:
0x1b: {  	_ = 	snop;
	(pc) =	sbr.rel @p1 .LBB2_7-.Ltmp2, $1  }
0x1c: {  	_ =	sdelay $0x3  }
0x1d: {  	s12 =	simm.s32 $0x1  }
0x1e: {  	_ =	swait.ge [sflag:s5], $0x100;
	s12 =	simm.s32 @!p0 $0x0  }
0x1f: {  	[sflag:s5] =	ssyncset.done $0x0;
	s14 =	sshll.u32 s12, $0x8  }
0x20: {  	[sflag:s5] =	ssyncadd.s32 $0xFFFFFF00;
	s13 =	sadd.s32 $0x0, s14  }
0x21: {  	v0 =	vld.msk [tilespmem:s13+$0x0 ss:$0x1], $0xffff;
	_ =	sdelay $0x4  }
0x22: {  	v1 =	vshll.u32 v0, $0x3  }
0x23: {  	vm2 =	veq.s32 v0, $0x80000000;
	v0 =	vshll.u32 v0, $0x14;
	v1 =	vand.u32 $0xFFF80, v1  }
0x24: {  	v0 =	vand.u32 $0xF00000, v0;
	v1 =	vsel vm2, $0xFFFFFF80, v1  }
0x25: {  	v0 =	vsel vm2, $0xFFF00000, v0;
	v2 =	vand.u32 $0xFFFFFC00, v1  }
0x26: {  	v1 =	vand.u32 $0x380, v1;
	v0 =	vadd.s32 v0, v2  }
0x27: {  	v0 =	vor.u32 v1, v0  }
0x28: {  	v0 =	vshrl.u32 v0, $0x3;
	_ =	sdelay $0x2  }
0x29: {  	s12 =	sshll.u32 s12, $0xF  }
0x2a: {  	s12 =	sor.u32 $0x200, s12  }
0x2b: {  	[tilespmem:s12], [sflag:$0x1] =	stream.indirect_vreg.gather [hbm:s3], $0x80, v0, vm0, $0x38;
	[tilespmem:$0x10200] =	vst v63  }
0x2c: {  	s15 =	sadd.s32 $0x10, s14;
	s13 =	sadd.s32 $0x400, s12  }
0x2d: {  	[tilespmem:s13], [sflag:$0x1] =	stream.indirect_vreg.gather [hbm:s3], $0x80, v0, vm1, $0x38;
	[tilespmem:$0x10200] =	vst v63  }
0x2e: {  	s16 =	simm.s32 $0x80;
	v0 =	vld.msk [tilespmem:s15+$0x0 ss:$0x1], $0xffff;
	s15 =	smov.u32 s12  }
.LBB2_3:
0x2f: {  	p1 =	sne.s32 s16, $0x3C0;
	_ =	sdelay $0x4  }
0x30: {  	v1 =	vshll.u32 v0, $0x3  }
0x31: {  	vm2 =	veq.s32 v0, $0x80000000;
	v0 =	vshll.u32 v0, $0x14;
	v1 =	vand.u32 $0xFFF80, v1  }
0x32: {  	v0 =	vand.u32 $0xF00000, v0;
	v1 =	vsel vm2, $0xFFFFFF80, v1  }
0x33: {  	v0 =	vsel vm2, $0xFFF00000, v0;
	v2 =	vand.u32 $0xFFFFFC00, v1  }
0x34: {  	v1 =	vand.u32 $0x380, v1;
	v0 =	vadd.s32 v0, v2  }
0x35: {  	v0 =	vor.u32 v1, v0  }
0x36: {  	v0 =	vshrl.u32 v0, $0x3;
	_ =	sdelay $0x3  }
.Ltmp3:
0x37: {  	s17 =	sshra.s32 s16, $0x2;
	s15 =	sadd.s32 $0x800, s15;
	(pc) =	sbr.rel @p1 .LBB2_3-.Ltmp3, $4  }
0x38: {  	[tilespmem:s15], [sflag:$0x1] =	stream.indirect_vreg.gather [hbm:s3], $0x80, v0, vm0, $0x38;
	[tilespmem:$0x10200] =	vst v63  }
0x39: {  	s17 =	sadd.s32 s17, s14;
	s18 =	sadd.s32 $0x400, s15  }
0x3a: {  	[tilespmem:s18], [sflag:$0x1] =	stream.indirect_vreg.gather [hbm:s3], $0x80, v0, vm1, $0x38;
	[tilespmem:$0x10200] =	vst v63  }
0x3b: {  	s16 =	sadd.s32 $0x40, s16;
	v0 =	vld.msk [tilespmem:s17+$0x0 ss:$0x1], $0xffff  }
0x3c: {  	_ =	sdelay $0x3  }
0x3d: {  	v1 =	vshll.u32 v0, $0x3  }
0x3e: {  	vm2 =	veq.s32 v0, $0x80000000;
	v63 =	vshll.u32 v0, $0x14;
	v1 =	vand.u32 $0xFFF80, v1  }
0x3f: {  	v0 =	vand.u32 $0xF00000, v63;
	v1 =	vsel vm2, $0xFFFFFF80, v1  }
0x40: {  	v0 =	vsel vm2, $0xFFF00000, v0;
	v2 =	vand.u32 $0xFFFFFC00, v1  }
0x41: {  	v1 =	vand.u32 $0x380, v1;
	v0 =	vadd.s32 v0, v2  }
0x42: {  	v0 =	vor.u32 v1, v0  }
0x43: {  	v0 =	vshrl.u32 v0, $0x3;
	_ =	sdelay $0x3  }
0x44: {  	s14 =	sadd.s32 $0x800, s15  }
0x45: {  	[tilespmem:s14], [sflag:$0x1] =	stream.indirect_vreg.gather [hbm:s3], $0x80, v0, vm0, $0x38;
	[tilespmem:$0x10200] =	vst v63  }
0x46: {  	s14 =	sadd.s32 $0x400, s14  }
0x47: {  	[tilespmem:s14], [sflag:$0x1] =	stream.indirect_vreg.gather [hbm:s3], $0x80, v0, vm1, $0x38;
	[tilespmem:$0x10200] =	vst v63  }
0x48: {  	s11 =	sshll.u32 s11, $0x4;
	_ =	swait.ge [sflag:s4], $0x8000  }
0x49: {  	s11 =	sadd.s32 s11, s7;
	[sflag:s4] =	ssyncset.done $0x0  }
0x4a: {  	s15 =	sadd.s32 $0x0, s11;
	s14 =	simm.s32 $0x80;
	[sflag:s4] =	ssyncadd.s32 $0xFFFF8000  }
.LBB2_5:
0x4b: {  	[hbm:s15] =	stream.linear.scatter [tilespmem:s12], [sflag:$0x3], $0x400, $0x38;
	[tilespmem:$0x10200] =	vst v63  }
0x4c: {  	s15 =	smov.u32 s14;
	s12 =	smov.u32 s13;
	p1 =	sne.s32 s14, $0xF80  }
.Ltmp4:
0x4d: {  	s14 =	sadd.s32 $0x80, s14;
	(pc) =	sbr.rel @p1 .LBB2_5-.Ltmp4, $2  }
0x4e: {  	_ =	sdelay $0x2  }
0x4f: {  	s13 =	sadd.s32 $0x400, s13;
	s15 =	sadd.s32 s15, s11  }
.Ltmp5:
0x50: {  	(pc) =	sbr.rel .LBB2_7-.Ltmp5, $2  }
0x51: {  	_ =	sdelay $0x2  }
0x52: {  	[hbm:s15] =	stream.linear.scatter [tilespmem:s12], [sflag:$0x3], $0x400, $0x38;
	[tilespmem:$0x10200] =	vst v63  }
.LBB2_8:
0x53: {  	_ =	sfence.sel $0x180000  }
0x54: {  	s2 =	simm.s32 $0x2;
	[bflag:$0x0] =	sbarrier.arrive $0xFFFF  }
0x55: {  	s30 =	simm.s32 $0x3;
	[sflag:s2] =	ssyncpa.u1 $0x1  }
0x56: {  	s31 =	simm.s32 $0x1;
	[sflag:s30] =	ssyncpa.u1 $0x1  }
0x57: {  	[sflag:s31] =	ssyncpa.u1 $0x1  }
0x58: {  	p0 =	sne.s32 s1, $0x0;
	_ =	strace $0x90000050  }
0x59: {  	s0 =	sadd.s32 @!p0 $0x100000, s0;
	[bflag:$0x2] =	sbarrier.arrive $0xFFFF  }
0x5a: {  	[sflag:s0] =	ssyncadd.tile.s32 @!p0 $0x1;
	_ =	shalt  }
.Lfunc_end2:
_tile_overlayer_lowered:
.L_overlay_start_2:
0x5b: {  	(tag) =	ssettag $0x2  }
0x5c: {  	s0 =	rddreg [dreg:$0x0];
	s2 =	stileid.u32  }
0x5d: {  	s1 =	rddreg [dreg:$0x1];
	p0 =	sne.s32 s2, $0x0  }
0x5e: {  	s3 =	rddreg [dreg:$0x2];
	[bflag:$0x3] =	sbarrier.arrive $0xFFFF;
	s2 =	simm.s32 @!p0 $0x1C01  }
0x5f: {  	[timem:s3], [sflag:s2] =	dma.local @!p0 [hbm:s0], s1  }
0x60: {  	s0 =	simm.s32 @!p0 $0x1  }
0x61: {  	_ =	swait.ge @!p0 [sflag:s0], s1  }
0x62: {  	s1 =	ssub.s32 @!p0 $0x0, s1;
	[sflag:s0] =	ssyncset.done @!p0 $0x0  }
0x63: {  	[sflag:s0] =	ssyncadd.s32 @!p0 s1  }
0x64: {  	[bflag:$0x3] =	sbarrier.arrive $0xFFFF  }
0x65: {  	_ =	shalt  }

// kernel: sparse-core-data-format-call.cloned.1.call-start
scs
called_computation_lowered:
.L_overlay_start_0:
0x0: {  	s2 =	sld [smem:$0x3FD9]  }
0x1: {  	s3 =	sld [smem:$0x3FFE];
	_ =	sdelay $0x1  }
0x2: {  	s1 =	srdreg.scid  }
0x3: {  	s0 =	sand.u32 $0x1, s1  }
0x4: {  	s18 =	sshll.u32 s0, $0xA;
	s2 =	sadd.s32 s3, s2  }
0x5: {  	s2 =	sadd.s32 s2, s18  }
0x6: {  	[smem:$0x3F95] =	sst s2  }
0x7: {  	_ = 	snop  }
0x8: {  	(tm) =	ssettm $0x1  }
0x9: {  	s19 =	sld [smem:$0x3FFB];
	_ =	sdelay $0x3  }
0xa: {  	_ =	strace s19  }
0xb: {  	s2 =	sld [smem:$0x3FFC];
	_ =	sdelay $0x3  }
0xc: {  	_ =	strace s2  }
0xd: {  	s2 =	sld [smem:$0x3FFD];
	_ =	sdelay $0x3  }
0xe: {  	_ =	strace s2  }
0xf: {  	_ =	strace $0x8FFFFFFF  }
0x10: {  	s20 =	sld [smem:$0x3FDB];
	_ =	sdelay $0x1  }
0x11: {  	s21 =	simm.s32 $_scs_section_size  }
0x12: {  	s4 =	simm.s32 $_size__tile_overlayer_lowered;
	s5 =	simm.s32 $_tile_overlayer_lowered  }
0x13: {  	s6 =	simm.s32 $0x1BFF;
	s22 =	sshll.u32 s5, $0x1;
	s3 =	sadd.s32 s21, s20  }
0x14: {  	s23 =	simm.s32 $0x0;
	s4 =	sshll.u32 s4, $0x1;
	s5 =	sadd.s32 s22, s3  }
0x15: {  	[timem:s23], [sflag:s6] =	dma.local [hbm:s5], s4  }
0x16: {  	_ =	swait.ge [sflag:s6], s4  }
0x17: {  	s4 =	ssub.s32 $0x0, s4;
	[sflag:s6] =	ssyncset.done $0x0  }
0x18: {  	[sflag:s6] =	ssyncadd.s32 s4;
	_ =	sdelay $0x1  }
0x19: {  	s24 =	simm.s32 $0x1B8B  }
0x1a: {  	_ =	swait.ge [sflag:s24], $0x1  }
0x1b: {  	[sflag:s24] =	ssyncset.done $0x0  }
0x1c: {  	[sflag:s24] =	ssyncadd.s32 $0xFFFFFFFF  }
0x1d: {  	s4 =	sld [smem:$0x0]  }
0x1e: {  	s5 =	sand.u32 $0xFFFFFFFE, s1  }
0x1f: {  	p0 =	sne.s32 s1, s5  }
0x20: {  	s5 =	sshll.u32 @p0 s5, $0xE  }
0x21: {  	s5 =	sadd.s32 @p0 $0x11B8D, s5;
	s6 =	sshll.u32 @p0 s4, $0x11  }
0x22: {  	s5 =	sor.u32 @p0 s6, s5  }
0x23: {  	[sflag:s5] =	ssyncadd.remote.s32 @p0 $0x1;
	_ =	sdelay $0x1  }
0x24: {  	s5 =	simm.s32 @p0 $0x1B8D  }
0x25: {  	_ =	swait.eq @p0 [sflag:s5], $0x1  }
0x26: {  	[sflag:s5] =	ssyncadd.s32 @p0 $0xFFFFFFFF  }
0x27: {  	s6 =	sshll.u32 @!p0 s1, $0xE  }
0x28: {  	s6 =	sor.u32 @!p0 $0x4000, s6;
	s5 =	simm.s32 @!p0 $0x1B8D  }
0x29: {  	s4 =	sshll.u32 @!p0 s4, $0x11;
	s6 =	sadd.s32 @!p0 $0x11B8D, s6;
	_ =	swait.eq @!p0 [sflag:s5], $0x1  }
0x2a: {  	s4 =	sor.u32 @!p0 s4, s6;
	[sflag:s5] =	ssyncadd.s32 @!p0 $0xFFFFFFFF  }
0x2b: {  	s26 =	simm.s32 $0x1B8E;
	s25 =	sld [smem:$0x3FFE];
	[sflag:s4] =	ssyncadd.remote.s32 @!p0 $0x1  }
0x2c: {  	s27 =	simm.s32 $execute0_lowered;
	[smem:$0x3FD2] =	sst s26  }
0x2d: {  	s5 =	sshll.u32 s27, $0x1;
	_ =	strace $0x8000004C;
	[dreg:$0x1] =	wrdreg $0xFFFFFFFF  }
0x2e: {  	s28 =	simm.s32 $_size_execute0_lowered;
	s3 =	sadd.s32 s3, s5;
	[dreg:$0x0] =	wrdreg $0x0  }
0x2f: {  	s5 =	sshll.u32 s28, $0x1;
	[dreg:$0x2] =	wrdreg s3  }
0x30: {  	[dreg:$0x3] =	wrdreg s5  }
0x31: {  	[dreg:$0x4] =	wrdreg $0xC0  }
0x32: {  	_ =	task [dreg:s23], $0x5FFFF  }
0x33: {  	[dreg:$0x1] =	wrdreg $0xFFFFFFFF  }
0x34: {  	[dreg:$0x0] =	wrdreg $0x60  }
0x35: {  	[dreg:$0x2] =	wrdreg s25  }
0x36: {  	[dreg:$0x3] =	wrdreg $0x9  }
0x37: {  	_ =	task.clear_ibuf [dreg:s23], $0x4FFFF;
	_ =	strace $0x9000004C  }
0x38: {  	s29 =	simm.s32 $0x9;
	_ =	strace $0x8000004E  }
0x39: {  	_ =	swait.ge [sflag:s29], $0x1  }
0x3a: {  	[sflag:s29] =	ssyncadd.s32 $0xFFFFFFFF  }
0x3b: {  	_ =	strace $0x9000004E  }
0x3c: {  	_ =	sfence  }
0x3d: {  	s30 =	sld [smem:$0x0];
	_ =	sdelay $0x2  }
0x3e: {  	s31 =	sshll.u32 s1, $0xD;
	s1 =	sshrl.u32 s1, $0x2  }
0x3f: {  	s4 =	sand.u32 $0x4000, s31;
	s1 =	sadd.s32 s1, s30  }
0x40: {  	s0 =	sor.u32 s4, s0;
	s1 =	sshll.u32 s1, $0x11  }
0x41: {  	s0 =	sor.u32 s1, s0  }
0x42: {  	s0 =	sadd.s32 $0x8F2B, s0  }
0x43: {  	[sflag:s0] =	ssyncadd.remote.s32 $0x1  }
0x44: {  	_ =	sfence.sel $0xFFFF  }
0x45: {  	[dreg:$0x0] =	wrdreg $0xFFFFFFFF;
	(pc) =	sbr.abs _section_cstart, $3  }
0x46: {  	[dreg:$0x1] =	wrdreg $0xFFFFFFFF  }
0x47: {  	_ =	task.clear_ibuf [dreg:s23], $0x2FFFF;
	_ =	strace $0x9FFFFFFF  }
0x48: {  	(tm) =	ssettm $0x7FFFFFFF  }
0x49: {  	_ =	shalt  }
tec
execute0_lowered:
.L_overlay_start_1:
0x0: {  	(tag) =	ssettag $0x1  }
0x1: {  	s1 =	rddreg [dreg:$0x0]  }
0x2: {  	s2 =	srdreg.scid;
	s0 =	rddreg [dreg:$0x1];
	_ =	strace $0x8000004D  }
0x3: {  	s5 =	simm.s32 $0x1;
	s8 =	simm.s32 $0x2;
	s14 =	simm.s32 $0x0  }
0x4: {  	p0 =	por $0x0, $0x0;
	s12 =	simm.s32 $0x0;
	s2 =	sshll.u32 s2, $0x7  }
0x5: {  	s13 =	simm.s32 $0x0;
	s9 =	simm.s32 $0x0;
	s2 =	sand.u32 $0x80, s2  }
.Ltmp0:
0x6: {  	s10 =	stileid.u32;
	s6 =	ssub.s32 $0x2000, s2;
	(pc) =	sbr.rel .LBB1_1-.Ltmp0, $4  }
0x7: {  	s11 =	simm.s32 $0x0;
	s3 =	sadd.s32 $0x825C00, s1;
	s7 =	sshrl.u32 s6, $0x7  }
0x8: {  	s4 =	sadd.s32 $0xA25C00, s1;
	s6 =	sshrl.u32 s6, $0x8;
	s7 =	sand.u32 $0x1, s7  }
0x9: {  	s1 =	stileid.u32;
	[sflag:s5] =	ssyncpa.u1 $0x0;
	s6 =	sadd.s32 s6, s7  }
0xa: {  	[sflag:s8] =	ssyncpa.u1 $0x0;
	s8 =	smov.u32 s2;
	s7 =	sadd.s32 $0x1, s6  }
.LBB1_4:
0xb: {  	v5 =	vld [tilespmem:s18+$0xFFFFFFD0];
	[tilespmem:s17+$0x2040 ss:$0x81] =	vst.msk $0xffff, v1  }
0xc: {  	v58 =	vld [tilespmem:s18+$0xFFFFFFE0];
	[tilespmem:s17+$0x2850 ss:$0x81] =	vst.msk $0xffff, v2  }
0xd: {  	s19 =	sshra.s32 s19, $0x2;
	v59 =	vld [tilespmem:s18+$0xFFFFFFF0];
	[tilespmem:s17+$0x3060 ss:$0x81] =	vst.msk $0xffff, v3  }
0xe: {  	v60 =	vld [tilespmem:s18+$0x0];
	[tilespmem:s17+$0x0 ss:$0x81] =	vst.msk $0xffff, v0;
	s16 =	sadd.s32 s19, s16  }
0xf: {  	v61 =	vld [tilespmem:s18+$0x10];
	[tilespmem:s16+$0x3870 ss:$0x81] =	vst.msk $0xffff, v4  }
0x10: {  	v62 =	vld [tilespmem:s18+$0x20];
	s14 =	sshll.u32 s14, $0x7;
	s28 =	sshll.u32 s12, $0x3;
	[tilespmem:s16+$0x810 ss:$0x81] =	vst.msk $0xffff, v5  }
0x11: {  	v63 =	vld [tilespmem:s18+$0xFFFFFFC0];
	s29 =	sand.u32 $0xFFC00, s14;
	s17 =	sand.u32 $0xFFC00, s28;
	[tilespmem:s16+$0x1020 ss:$0x81] =	vst.msk $0xffff, v58  }
0x12: {  	s14 =	sand.u32 $0x380, s14;
	s17 =	sadd.s32 s17, s29;
	[tilespmem:s16+$0x1830 ss:$0x81] =	vst.msk $0xffff, v59  }
0x13: {  	s13 =	sshll.u32 s13, $0x11;
	s30 =	sshrl.u32 s12, $0x3;
	s14 =	sor.u32 s14, s17;
	[tilespmem:s16+$0x2040 ss:$0x81] =	vst.msk $0xffff, v60  }
0x14: {  	s13 =	sadd.s32 s4, s13;
	s17 =	sand.u32 $0xF, s30;
	s14 =	sshrl.u32 s14, $0x3;
	[tilespmem:s16+$0x2850 ss:$0x81] =	vst.msk $0xffff, v61  }
0x15: {  	s13 =	sadd.s32 s17, s13;
	[tilespmem:s16+$0x3060 ss:$0x81] =	vst.msk $0xffff, v62;
	s14 =	sand.u32 $0x1FFF0, s14  }
0x16: {  	s31 =	sand.u32 $0x7, s12;
	[tilespmem:s16+$0x0 ss:$0x81] =	vst.msk $0xffff, v63;
	s13 =	sadd.s32 s14, s13  }
0x17: {  	[hbm4b:s13+s31] =	stream.linear.scatter [tilespmem:s15], [sflag:$0x2], $0x4000, $0x20;
	[tilespmem:$0x10100] =	vst v63  }
.LBB1_5:
0x18: {  	s15 =	sadd.s32 $0x100, s8  }
0x19: {  	s12 =	sadd.s32 $0x80, s9;
	s16 =	smov.u32 s9;
	p2 =	sgt.s32 s15, $0x1FFF  }
0x1a: {  	s16 =	smov.u32 @p2 s12  }
0x1b: {  	s18 =	smov.u32 s10;
	s12 =	sadd.s32 $0x10, s10;
	p3 =	sgt.s32 s16, $0x7F  }
0x1c: {  	s18 =	smov.u32 @p3 s12  }
0x1d: {  	s15 =	smov.u32 @p2 s2;
	p2 =	sgt.s32 s18, $0xF  }
0x1e: {  	p1 =	slt.u32 s11, $0x2;
	s18 =	smov.u32 @p2 s1;
	p2 =	sne.s32 s11, s7  }
.Ltmp1:
0x1f: {  	s17 =	simm.s32 @!p1 $0x2;
	(pc) =	sbr.rel @!p2 .LBB1_6-.Ltmp1, $4  }
0x20: {  	s14 =	smov.u32 s8;
	s13 =	smov.u32 s10;
	_ =	swait.ge @!p1 [sflag:s17], $0x4000  }
0x21: {  	p0 =	por !p0, !p0;
	[sflag:s17] =	ssyncset.done @!p1 $0x0;
	s8 =	smov.u32 s15  }
0x22: {  	s16 =	simm.s32 @p3 $0x0;
	s12 =	smov.u32 s9;
	[sflag:s17] =	ssyncadd.s32 @!p1 $0xFFFFC000  }
0x23: {  	s9 =	smov.u32 s16;
	s11 =	sadd.s32 $0x1, s11;
	s10 =	smov.u32 s18  }
.LBB1_1:
0x24: {  	p1 =	sge.u32 s11, s6;
	s31 =	sadd.s32 $0xFFFFFFFF, s11  }
0x25: {  	s15 =	sxor.u32 @!p1 $0xFFFFFFFF, s11;
	s16 =	sand.u32 @!p1 $0x78, s8;
	s17 =	sshll.u32 @!p1 s9, $0xD  }
0x26: {  	s18 =	sshll.u32 @!p1 s9, $0x7;
	s19 =	sshll.u32 @!p1 s8, $0x3;
	s15 =	sshll.u32 @!p1 s15, $0xE  }
0x27: {  	s17 =	sand.u32 @!p1 $0xF0000, s17;
	s18 =	sand.u32 @!p1 $0x380, s18;
	s15 =	sand.u32 @!p1 $0x4000, s15  }
0x28: {  	s17 =	sadd.s32 @!p1 s17, s19;
	s19 =	sand.u32 @!p1 $0x1C00, s19;
	s16 =	sor.u32 @!p1 s18, s16  }
0x29: {  	s18 =	sshll.u32 @!p1 s10, $0x11;
	s16 =	sor.u32 @!p1 s19, s16;
	s17 =	sshrl.u32 @!p1 s17, $0x3  }
0x2a: {  	s18 =	sadd.s32 @!p1 s3, s18;
	s19 =	sand.u32 @!p1 $0x7, s8;
	s17 =	sand.u32 @!p1 $0x1FC00, s17  }
0x2b: {  	s16 =	sshrl.u32 @!p1 s16, $0x3;
	s17 =	sadd.s32 @!p1 s17, s18;
	s18 =	sshll.u32 @!p1 s19, $0x12  }
0x2c: {  	s16 =	sadd.s32 @!p1 s16, s17;
	s17 =	sor.u32 @!p1 $0x400, s18;
	s18 =	simm.s32 @!p1 $0x10000  }
0x2d: {  	[tilespmem:s15], [sflag:$0x1] =	stream.strided.gather @!p1 [hbm4b:s16+s17], $0x4000, s18, s17, $0x38;
	[tilespmem:$0x10100] =	vst v63  }
0x2e: {  	p1 =	sge.u32 s31, s6  }
.Ltmp2:
0x2f: {  	_ = 	snop;
	(pc) =	sbr.rel @p1 .LBB1_5-.Ltmp2, $1  }
0x30: {  	_ =	sdelay $0x3  }
0x31: {  	s15 =	simm.s32 $0x1  }
0x32: {  	_ =	swait.ge [sflag:s5], $0x4000;
	s15 =	simm.s32 @!p0 $0x0  }
0x33: {  	[sflag:s5] =	ssyncset.done $0x0;
	s16 =	sshll.u32 s15, $0xE  }
0x34: {  	[sflag:s5] =	ssyncadd.s32 $0xFFFFC000;
	s18 =	sor.u32 $0x40, s16  }
0x35: {  	s15 =	smul.u32 $0x10200, s15;
	v0 =	vld [tilespmem:s18+$0x30]  }
0x36: {  	v3 =	vld [tilespmem:s18+$0xFFFFFFD0]  }
0x37: {  	s15 =	sshrl.u32 s15, $0x2;
	v4 =	vld [tilespmem:s18+$0xFFFFFFE0]  }
0x38: {  	v5 =	vld [tilespmem:s18+$0xFFFFFFF0];
	s16 =	sor.u32 $0x8000, s15  }
0x39: {  	s31 =	sand.u32 $0x1, s11;
	v1 =	vld [tilespmem:s18+$0x0];
	s17 =	sadd.s32 $0x0, s16  }
0x3a: {  	v2 =	vld [tilespmem:s18+$0x10];
	s15 =	smul.u32 $0x10200, s31;
	[tilespmem:s17+$0x3870 ss:$0x81] =	vst.msk $0xffff, v0  }
0x3b: {  	[tilespmem:s17+$0x810 ss:$0x81] =	vst.msk $0xffff, v3;
	v3 =	vld [tilespmem:s18+$0x20]  }
0x3c: {  	s15 =	sshrl.u32 s15, $0x2;
	v0 =	vld [tilespmem:s18+$0xFFFFFFC0];
	[tilespmem:s17+$0x1020 ss:$0x81] =	vst.msk $0xffff, v4;
	s18 =	sadd.s32 $0x80, s18  }
0x3d: {  	s19 =	simm.s32 $0x4;
	s20 =	simm.s32 $0x8;
	s15 =	sor.u32 $0x8000, s15;
	[tilespmem:s17+$0x1830 ss:$0x81] =	vst.msk $0xffff, v5;
	v4 =	vld [tilespmem:s18+$0x30]  }
.LBB1_3:
0x3e: {  	p1 =	sne.s32 s20, $0x1FC;
	v5 =	vld [tilespmem:s18+$0xFFFFFFD0];
	[tilespmem:s17+$0x2040 ss:$0x81] =	vst.msk $0xffff, v1  }
0x3f: {  	v6 =	vld [tilespmem:s18+$0xFFFFFFE0];
	[tilespmem:s17+$0x2850 ss:$0x81] =	vst.msk $0xffff, v2  }
0x40: {  	s21 =	sshra.s32 s19, $0x2;
	s19 =	smov.u32 s20;
	v7 =	vld [tilespmem:s18+$0xFFFFFFF0];
	[tilespmem:s17+$0x3060 ss:$0x81] =	vst.msk $0xffff, v3  }
.Ltmp3:
0x41: {  	v1 =	vld [tilespmem:s18+$0x0];
	[tilespmem:s17+$0x0 ss:$0x81] =	vst.msk $0xffff, v0;
	s17 =	sadd.s32 s21, s16;
	(pc) =	sbr.rel @p1 .LBB1_3-.Ltmp3, $4  }
0x42: {  	v2 =	vld [tilespmem:s18+$0x10];
	[tilespmem:s17+$0x3870 ss:$0x81] =	vst.msk $0xffff, v4  }
0x43: {  	[tilespmem:s17+$0x810 ss:$0x81] =	vst.msk $0xffff, v5;
	v3 =	vld [tilespmem:s18+$0x20]  }
0x44: {  	v0 =	vld [tilespmem:s18+$0xFFFFFFC0];
	[tilespmem:s17+$0x1020 ss:$0x81] =	vst.msk $0xffff, v6;
	s18 =	sadd.s32 $0x80, s18  }
0x45: {  	s20 =	sadd.s32 $0x4, s20;
	v4 =	vld [tilespmem:s18+$0x30];
	[tilespmem:s17+$0x1830 ss:$0x81] =	vst.msk $0xffff, v7  }
.Ltmp4:
0x46: {  	_ = 	snop;
	(pc) =	sbr.rel .LBB1_4-.Ltmp4, $1  }
0x47: {  	_ =	sdelay $0x3  }
.LBB1_6:
0x48: {  	_ =	sfence.sel $0x180000  }
0x49: {  	s2 =	simm.s32 $0x1;
	[bflag:$0x0] =	sbarrier.arrive $0xFFFF  }
0x4a: {  	s31 =	simm.s32 $0x2;
	[sflag:s2] =	ssyncpa.u1 $0x1  }
0x4b: {  	[sflag:s31] =	ssyncpa.u1 $0x1  }
0x4c: {  	p0 =	sne.s32 s1, $0x0;
	_ =	strace $0x9000004D  }
0x4d: {  	s0 =	sadd.s32 @!p0 $0x100000, s0;
	[bflag:$0x2] =	sbarrier.arrive $0xFFFF  }
0x4e: {  	[sflag:s0] =	ssyncadd.tile.s32 @!p0 $0x1;
	_ =	shalt  }
.Lfunc_end1:
_tile_overlayer_lowered:
.L_overlay_start_2:
0x4f: {  	(tag) =	ssettag $0x2  }
0x50: {  	s0 =	rddreg [dreg:$0x0];
	s2 =	stileid.u32  }
0x51: {  	s1 =	rddreg [dreg:$0x1];
	p0 =	sne.s32 s2, $0x0  }
0x52: {  	s3 =	rddreg [dreg:$0x2];
	[bflag:$0x3] =	sbarrier.arrive $0xFFFF;
	s2 =	simm.s32 @!p0 $0x1C01  }
0x53: {  	[timem:s3], [sflag:s2] =	dma.local @!p0 [hbm:s0], s1  }
0x54: {  	s0 =	simm.s32 @!p0 $0x1  }
0x55: {  	_ =	swait.ge @!p0 [sflag:s0], s1  }
0x56: {  	s1 =	ssub.s32 @!p0 $0x0, s1;
	[sflag:s0] =	ssyncset.done @!p0 $0x0  }
0x57: {  	[sflag:s0] =	ssyncadd.s32 @!p0 s1  }
0x58: {  	[bflag:$0x3] =	sbarrier.arrive $0xFFFF  }
0x59: {  	_ =	shalt  }

</sc_bundles>
